<compile_context>
chip_gen: v7x
topology: tpu7x:2x2x1
jax: 0.10.2.dev20260603
libtpu: 0.0.44.dev20260713+nightly
codegen_flags: <defaults>
</compile_context>

<pallas_src>
import functools

import jax
import jax.numpy as jnp
from jax import lax
from jax.experimental import pallas as pl
from jax.experimental.pallas import tpu as pltpu
from jax.experimental.pallas import tpu_sc as plsc

N = 10000
E = 320000
D_FEAT = 128
H1 = 32
H2 = 16
NUM_SUM = 100
NUM_LEAF = 20
Y_DIMS = 16

NC = 2
NS = 16
NW = NC * NS
CHUNK = 125
ROWS = E // CHUNK
ROWS_W = ROWS // NW

S_BIG = 632
S_LAST = N - (NS - 1) * S_BIG

W_P0 = 128
W_P1 = 128
W_DEG = 8

RECON_BLK = 400
TC_BLK = 1000
LEAF_W = Y_DIMS * NUM_LEAF
OUT_WORDS = N * N + N * NUM_SUM + N * Y_DIMS * NUM_LEAF


def _sc_mesh():
    return plsc.VectorSubcoreMesh(core_axis_name="c", subcore_axis_name="s")


def _stripe_zero(zer_hbm, acc, s):
    @pl.when(s < NS - 1)
    def _():
        pltpu.sync_copy(zer_hbm, acc.at[pl.ds(s * S_BIG, S_BIG)])

    @pl.when(s == NS - 1)
    def _():
        pltpu.sync_copy(zer_hbm.at[pl.ds(0, S_LAST)],
                        acc.at[pl.ds((NS - 1) * S_BIG, S_LAST)])


def _stripe_out(acc, out_hbm, c, s):
    @pl.when(s < NS - 1)
    def _():
        pltpu.sync_copy(acc.at[pl.ds(s * S_BIG, S_BIG)],
                        out_hbm.at[c, pl.ds(s * S_BIG, S_BIG)])

    @pl.when(s == NS - 1)
    def _():
        pltpu.sync_copy(acc.at[pl.ds((NS - 1) * S_BIG, S_LAST)],
                        out_hbm.at[c, pl.ds((NS - 1) * S_BIG, S_LAST)])



def _deg_kernel(dst_hbm, ones_hbm, zer_hbm, out_hbm, dst_v, ones_v, acc):
    c = lax.axis_index("c")
    s = lax.axis_index("s")
    wid = c * NS + s
    _stripe_zero(zer_hbm, acc, s)
    pltpu.sync_copy(dst_hbm.at[pl.ds(wid * ROWS_W, ROWS_W)], dst_v)
    pltpu.sync_copy(ones_hbm, ones_v)
    plsc.subcore_barrier()

    def body(j, carry):
        pltpu.sync_copy(ones_v, acc.at[dst_v.at[j]], add=True)
        return carry

    lax.fori_loop(0, ROWS_W, body, 0)
    plsc.subcore_barrier()
    _stripe_out(acc, out_hbm, c, s)


def _make_deg():
    return functools.partial(
        pl.kernel,
        mesh=_sc_mesh(),
        out_type=jax.ShapeDtypeStruct((NC, N, W_DEG), jnp.float32),
        scratch_types=[
            pltpu.VMEM((ROWS_W, CHUNK), jnp.int32),
            pltpu.VMEM((CHUNK, W_DEG), jnp.float32),
            pltpu.VMEM_SHARED((N, W_DEG), jnp.float32),
        ],
    )(_deg_kernel)


def _prop_kernel(ei_hbm, tbl_hbm, zer_hbm, out_hbm,
                 ia, ib, rows_a, rows_b, acc, si_a, si_b, sg_a, sg_b):
    c = lax.axis_index("c")
    s = lax.axis_index("s")
    wid = c * NS + s
    base = wid * ROWS_W
    _stripe_zero(zer_hbm, acc, s)
    plsc.subcore_barrier()

    pltpu.sync_copy(ei_hbm.at[base], ia)
    pltpu.async_copy(tbl_hbm.at[ia.at[0]], rows_a, sg_a)
    pltpu.async_copy(ei_hbm.at[base + 1], ib, si_b)

    def body(k, carry):
        j0 = 2 * k
        j1 = 2 * k + 1
        pltpu.make_async_copy(tbl_hbm.at[ia.at[0]], rows_a, sg_a).wait()
        pltpu.make_async_copy(ei_hbm.at[base + j1], ib, si_b).wait()
        pltpu.async_copy(tbl_hbm.at[ib.at[0]], rows_b, sg_b)
        pltpu.sync_copy(rows_a, acc.at[ia.at[1]], add=True)

        @pl.when(j0 + 2 < ROWS_W)
        def _():
            pltpu.async_copy(ei_hbm.at[base + j0 + 2], ia, si_a)

        pltpu.make_async_copy(tbl_hbm.at[ib.at[0]], rows_b, sg_b).wait()

        @pl.when(j0 + 2 < ROWS_W)
        def _():
            pltpu.make_async_copy(ei_hbm.at[base + j0 + 2], ia, si_a).wait()
            pltpu.async_copy(tbl_hbm.at[ia.at[0]], rows_a, sg_a)

        pltpu.sync_copy(rows_b, acc.at[ib.at[1]], add=True)

        @pl.when(j1 + 2 < ROWS_W)
        def _():
            pltpu.async_copy(ei_hbm.at[base + j1 + 2], ib, si_b)

        return carry

    lax.fori_loop(0, ROWS_W // 2, body, 0)
    plsc.subcore_barrier()
    _stripe_out(acc, out_hbm, c, s)


def _make_prop(width):
    return functools.partial(
        pl.kernel,
        mesh=_sc_mesh(),
        out_type=jax.ShapeDtypeStruct((NC, N, width), jnp.float32),
        scratch_types=[
            pltpu.VMEM((2, CHUNK), jnp.int32),
            pltpu.VMEM((2, CHUNK), jnp.int32),
            pltpu.VMEM((CHUNK, width), jnp.float32),
            pltpu.VMEM((CHUNK, width), jnp.float32),
            pltpu.VMEM_SHARED((N, width), jnp.float32),
            pltpu.SemaphoreType.DMA,
            pltpu.SemaphoreType.DMA,
            pltpu.SemaphoreType.DMA,
            pltpu.SemaphoreType.DMA,
        ],
    )(_prop_kernel)



def _prep_body(deg_ref, x_ref, xs_ref, dinv_ref):
    deg = deg_ref[0, :, 0:1] + deg_ref[1, :, 0:1] + 1.0
    dv = lax.rsqrt(deg)
    dinv_ref[...] = dv
    xs_ref[...] = x_ref[...] * dv


def _mid_body(p_ref, dinv_ref, wg_ref, wb_ref, out_ref):
    dv = dinv_ref[...]
    agg = (p_ref[0] + p_ref[1]) * dv
    h = jnp.maximum(
        jnp.dot(agg, wg_ref[...], preferred_element_type=jnp.float32), 0.0)
    g = jnp.dot(h, wb_ref[...], preferred_element_type=jnp.float32)
    out_ref[...] = g * dv


def _finalize_body(p_ref, dinv_ref, eps_ref, wsw_ref, bsw_ref, wl1_ref,
                   bl1_ref, wl2_ref, bl2_ref, wlw_ref, blw_ref,
                   z_ref, sw_ref, lf_ref):
    dv = dinv_ref[...]
    p = (p_ref[0] + p_ref[1]) * dv
    zm = p[:, 0:H2]
    acc = zm
    for i in range(5):
        acc = acc + eps_ref[i] * jnp.exp(p[:, H2 + H2 * i:2 * H2 + H2 * i])
    z_ref[...] = 0.2 * acc
    sw_ref[...] = (
        jnp.dot(zm, wsw_ref[...], preferred_element_type=jnp.float32)
        + bsw_ref[...])
    l1 = jnp.maximum(
        jnp.dot(zm, wl1_ref[...], preferred_element_type=jnp.float32)
        + bl1_ref[...], 0.0)
    l2 = jnp.maximum(
        jnp.dot(l1, wl2_ref[...], preferred_element_type=jnp.float32)
        + bl2_ref[...], 0.0)
    for j in range(Y_DIMS):
        lf_ref[:, pl.ds(j * NUM_LEAF, NUM_LEAF)] = (
            jnp.dot(l2[:, j * H2:(j + 1) * H2], wlw_ref[...],
                    preferred_element_type=jnp.float32) + blw_ref[...])


def _recon_body(z_ref, zt_ref, out_ref):
    out_ref[...] = jnp.dot(z_ref[...], zt_ref[...],
                           preferred_element_type=jnp.float32)



def kernel(x, edge_index, params, eps):
    f32 = jnp.float32
    src2 = edge_index[0].reshape(ROWS, CHUNK)
    dst2 = edge_index[1].reshape(ROWS, CHUNK)
    ei3 = jnp.stack([src2, dst2], axis=1)
    ones8 = jnp.ones((CHUNK, W_DEG), f32)
    zer8 = jnp.zeros((S_BIG, W_DEG), f32)
    zer128 = jnp.zeros((S_BIG, W_P0), f32)

    wg = jnp.concatenate([params['W_gc%d' % i] for i in range(5)], axis=1)
    wm = jnp.concatenate([params['W_mean%d' % i] for i in range(5)], axis=0)
    ws = jnp.zeros((5 * H1, 5 * H2), f32)
    for i in range(5):
        ws = ws.at[i * H1:(i + 1) * H1, i * H2:(i + 1) * H2].set(
            params['W_std%d' % i])
    wb = jnp.concatenate([wm, ws, jnp.zeros((5 * H1, 32), f32)], axis=1)
    wsw = params['W_sw1'] @ params['W_sw2']
    bsw = params['b_sw1'] @ params['W_sw2'] + params['b_sw2']

    deg8 = _make_deg()(dst2, ones8, zer8)

    xs, dinv = pl.pallas_call(
        _prep_body,
        grid=(N // TC_BLK,),
        in_specs=[
            pl.BlockSpec((NC, TC_BLK, W_DEG), lambda i: (0, i, 0)),
            pl.BlockSpec((TC_BLK, D_FEAT), lambda i: (i, 0)),
        ],
        out_specs=(pl.BlockSpec((TC_BLK, D_FEAT), lambda i: (i, 0)),
                   pl.BlockSpec((TC_BLK, 1), lambda i: (i, 0))),
        out_shape=(jax.ShapeDtypeStruct((N, D_FEAT), f32),
                   jax.ShapeDtypeStruct((N, 1), f32)),
    )(deg8, x)

    p0 = _make_prop(W_P0)(ei3, xs, zer128)

    gs = pl.pallas_call(
        _mid_body,
        grid=(N // TC_BLK,),
        in_specs=[
            pl.BlockSpec((NC, TC_BLK, W_P0), lambda i: (0, i, 0)),
            pl.BlockSpec((TC_BLK, 1), lambda i: (i, 0)),
            pl.BlockSpec((D_FEAT, 5 * H1), lambda i: (0, 0)),
            pl.BlockSpec((5 * H1, W_P1), lambda i: (0, 0)),
        ],
        out_specs=pl.BlockSpec((TC_BLK, W_P1), lambda i: (i, 0)),
        out_shape=jax.ShapeDtypeStruct((N, W_P1), f32),
    )(p0, dinv, wg, wb)

    p1 = _make_prop(W_P1)(ei3, gs, zer128)

    z, sw, leaf = pl.pallas_call(
        _finalize_body,
        grid=(N // TC_BLK,),
        in_specs=[
            pl.BlockSpec((NC, TC_BLK, W_P1), lambda i: (0, i, 0)),
            pl.BlockSpec((TC_BLK, 1), lambda i: (i, 0)),
            pl.BlockSpec((5, TC_BLK, H2), lambda i: (0, i, 0)),
            pl.BlockSpec((H2, NUM_SUM), lambda i: (0, 0)),
            pl.BlockSpec((1, NUM_SUM), lambda i: (0, 0)),
            pl.BlockSpec((H2, Y_DIMS * H2), lambda i: (0, 0)),
            pl.BlockSpec((1, Y_DIMS * H2), lambda i: (0, 0)),
            pl.BlockSpec((Y_DIMS * H2, Y_DIMS * H2), lambda i: (0, 0)),
            pl.BlockSpec((1, Y_DIMS * H2), lambda i: (0, 0)),
            pl.BlockSpec((H2, NUM_LEAF), lambda i: (0, 0)),
            pl.BlockSpec((1, NUM_LEAF), lambda i: (0, 0)),
        ],
        out_specs=(pl.BlockSpec((TC_BLK, H2), lambda i: (i, 0)),
                   pl.BlockSpec((TC_BLK, NUM_SUM), lambda i: (i, 0)),
                   pl.BlockSpec((TC_BLK, LEAF_W), lambda i: (i, 0))),
        out_shape=(jax.ShapeDtypeStruct((N, H2), f32),
                   jax.ShapeDtypeStruct((N, NUM_SUM), f32),
                   jax.ShapeDtypeStruct((N, LEAF_W), f32)),
    )(p1, dinv, eps, wsw, bsw.reshape(1, NUM_SUM),
      params['W_l1'], params['b_l1'].reshape(1, -1),
      params['W_l2'], params['b_l2'].reshape(1, -1),
      params['W_lw'], params['b_lw'].reshape(1, NUM_LEAF))

    zt = z.T

    recon2d = pl.pallas_call(
        _recon_body,
        grid=(N // RECON_BLK,),
        in_specs=[
            pl.BlockSpec((RECON_BLK, H2), lambda i: (i, 0)),
            pl.BlockSpec((H2, N), lambda i: (0, 0)),
        ],
        out_specs=pl.BlockSpec((RECON_BLK, N), lambda i: (i, 0)),
        out_shape=jax.ShapeDtypeStruct((OUT_WORDS // N, N), f32),
    )(z, zt)

    flat = recon2d.reshape(-1)
    flat = lax.dynamic_update_slice(flat, sw.reshape(-1), (N * N,))
    flat = lax.dynamic_update_slice(
        flat, leaf.reshape(-1), (N * N + N * NUM_SUM,))
    return flat

# --- scband reference (transcript-rebuilt; emitter-appended) ---
"""Pipeline reference for scband-cspnmodel-ae-81166291960304 (READ-ONLY COPY).

The authoritative reference and input builder live on the scoring server;
editing this copy changes nothing except your own understanding.
"""

import jax, jax.numpy as jnp
import numpy as np

N = 10000
E = 320000
D_FEAT = 128
H1 = 32
H2 = 16
NUM_SUM = 100
NUM_LEAF = 20
Y_DIMS = 16


def _glorot(key, shape):
    lim = np.sqrt(6.0 / (shape[0] + shape[1]))
    return jax.random.uniform(key, shape, jnp.float32, -lim, lim)


def setup_inputs(seed: int = 0):
    key = jax.random.key(seed)
    ks = jax.random.split(key, 40)
    x = jax.random.normal(ks[0], (N, D_FEAT), dtype=jnp.float32)
    edge_index = jax.random.randint(ks[1], (2, E), 0, N, dtype=jnp.int32)
    params = {}
    for i in range(5):
        params['W_gc%d' % i] = _glorot(ks[2 + i], (D_FEAT, H1))
        params['W_mean%d' % i] = _glorot(ks[7 + i], (H1, H2))
        params['W_std%d' % i] = _glorot(ks[12 + i], (H1, H2))
    params['W_sw1'] = _glorot(ks[20], (H2, NUM_SUM * 16))
    params['b_sw1'] = jnp.zeros((NUM_SUM * 16,), jnp.float32)
    params['W_sw2'] = _glorot(ks[21], (NUM_SUM * 16, NUM_SUM))
    params['b_sw2'] = jnp.zeros((NUM_SUM,), jnp.float32)
    params['W_l1'] = _glorot(ks[22], (H2, Y_DIMS * 16))
    params['b_l1'] = jnp.zeros((Y_DIMS * 16,), jnp.float32)
    params['W_l2'] = _glorot(ks[23], (Y_DIMS * 16, Y_DIMS * 16))
    params['b_l2'] = jnp.zeros((Y_DIMS * 16,), jnp.float32)
    params['W_lw'] = _glorot(ks[24], (16, NUM_LEAF))
    params['b_lw'] = jnp.zeros((NUM_LEAF,), jnp.float32)
    eps = jax.random.normal(ks[25], (5, N, H2), dtype=jnp.float32)
    return {"x": x, "edge_index": edge_index, "params": params, "eps": eps}


def _propagate(h, edge_index, norm):
    # sparse normalized adjacency matmul: adj_norm @ h, via gather + scatter-add
    src = edge_index[0]
    dst = edge_index[1]
    msgs = h[src] * norm[:, None]
    return jax.ops.segment_sum(msgs, dst, num_segments=N)


def reference(x, edge_index, params, eps):
    src = edge_index[0]
    dst = edge_index[1]
    # symmetric degree normalization D^-1/2 A D^-1/2 (self-loop smoothing via +1)
    deg = jax.ops.segment_sum(jnp.ones((E,), jnp.float32), dst, num_segments=N) + 1.0
    dinv = jax.lax.rsqrt(deg)
    norm = dinv[src] * dinv[dst]
    z_list, zm_list, zs_list = [], [], []
    for i in range(5):
        # GraphConvolutionSparse: relu(adj @ (x @ W))  (dropout=0 at inference)
        h = jax.nn.relu(_propagate(x @ params['W_gc%d' % i], edge_index, norm))
        # GraphConvolution heads with identity activation
        zm = _propagate(h @ params['W_mean%d' % i], edge_index, norm)
        zs = _propagate(h @ params['W_std%d' % i], edge_index, norm)
        z_list.append(zm + eps[i] * jnp.exp(zs))
        zm_list.append(zm)
        zs_list.append(zs)
    z = 0.2 * (z_list[0] + z_list[1] + z_list[2] + z_list[3] + z_list[4])
    z_mean = zm_list[0] + zm_list[1] + zm_list[2] + zm_list[3] + zm_list[4]
    # sum-weight head
    sw1 = z_mean @ params['W_sw1'] + params['b_sw1']
    sum_weights = sw1 @ params['W_sw2'] + params['b_sw2']
    # leaf-weight head
    l1 = jax.nn.relu(z_mean @ params['W_l1'] + params['b_l1'])
    l2 = jax.nn.relu(l1 @ params['W_l2'] + params['b_l2'])
    leaf_linear = l2.reshape(N, Y_DIMS, 16)
    leaf_weights = leaf_linear @ params['W_lw'] + params['b_lw']
    # InnerProductDecoder with identity act, flattened
    recon = (z @ z.T).reshape(-1)
    return jnp.concatenate([recon, sum_weights.reshape(-1), leaf_weights.reshape(-1)])

if __name__ == "__main__":
    import jax
    _d = setup_inputs()
    print(jax.jit(kernel)(*tuple(_d.values())))

</pallas_src>

<mosaic_0001>
#map = affine_map<(d0, d1) -> (0, 0)>
#map1 = affine_map<(d0, d1) -> (0, 0, 0)>
module attributes {stable_mosaic.version = 14 : i64} {
  func.func @_deg_kernel(%arg0: i32, %arg1: i32, %arg2: memref<2560x125xi32, #tpu.memory_space<hbm>>, %arg3: memref<125x8xf32, #tpu.memory_space<hbm>>, %arg4: memref<632x8xf32, #tpu.memory_space<hbm>>, %arg5: memref<2x10000x8xf32, #tpu.memory_space<hbm>>, %arg6: memref<80x125xi32, #tpu.memory_space<vmem>>, %arg7: memref<125x8xf32, #tpu.memory_space<vmem>>, %arg8: memref<10000x8xf32, #tpu.memory_space<vmem_shared>>) attributes {dimension_semantics = [#tpu.dimension_semantics<core_parallel>, #tpu.dimension_semantics<subcore_parallel>], iteration_bounds = array<i64: 2, 16>, scalar_prefetch = 0 : i64, scratch_operands = 3 : i64, tpu.core_type = #tpu.core_type<sc_vector_subcore>, window_params = [{transform_indices = #map}, {transform_indices = #map}, {transform_indices = #map}, {transform_indices = #map1}]} {
    %mul3A = arith.constant 16 : i32
    %mul3A_0 = arith.muli %arg0, %mul3A : i32
    %add3A = arith.addi %mul3A_0, %arg1 : i32
    %lt3A = arith.constant 15 : i32
    %lt3A_1 = arith.cmpi slt, %arg1, %lt3A : i32
    %convert_element_type3A = arith.extui %lt3A_1 : i1 to i32
    %cond3A = arith.constant 0 : i32
    %cond3A_2 = arith.cmpi ne, %convert_element_type3A, %cond3A : i32
    scf.if %cond3A_2 {
      %mul3A_25 = arith.constant 632 : i32
      %mul3A_26 = arith.muli %arg1, %mul3A_25 : i32
      "tpu.region"() ({
        %run_scoped3A = tpu.sem_alloc : memref<!tpu.dma_semaphore, #tpu.memory_space<semaphore_mem>>
        %dma_start3A = arith.constant 0 : i32
        %dma_start3A_27 = tpu.memref_slice %arg8[%mul3A_26, %dma_start3A] : memref<10000x8xf32, #tpu.memory_space<vmem_shared>> -> memref<632x8xf32, #tpu.memory_space<vmem_shared>>
        tpu.enqueue_dma source(%arg4 : memref<632x8xf32, #tpu.memory_space<hbm>>) target(%dma_start3A_27 : memref<632x8xf32, #tpu.memory_space<vmem_shared>>) target_semaphore(%run_scoped3A : memref<!tpu.dma_semaphore, #tpu.memory_space<semaphore_mem>>)
        %dma_wait3A = arith.constant 0 : i32
        %dma_wait3A_28 = tpu.memref_slice %arg8[%mul3A_26, %dma_wait3A] : memref<10000x8xf32, #tpu.memory_space<vmem_shared>> -> memref<632x8xf32, #tpu.memory_space<vmem_shared>>
        tpu.wait_dma2 semaphore(%run_scoped3A : memref<!tpu.dma_semaphore, #tpu.memory_space<semaphore_mem>>) src(%arg4 : memref<632x8xf32, #tpu.memory_space<hbm>>) dst(%dma_wait3A_28 : memref<632x8xf32, #tpu.memory_space<vmem_shared>>)
        tpu.yield
      }) : () -> ()
    } else {
    }
    %eq3A = arith.constant 15 : i32
    %eq3A_3 = arith.cmpi eq, %arg1, %eq3A : i32
    %convert_element_type3A_4 = arith.extui %eq3A_3 : i1 to i32
    %cond3A_5 = arith.constant 0 : i32
    %cond3A_6 = arith.cmpi ne, %convert_element_type3A_4, %cond3A_5 : i32
    scf.if %cond3A_6 {
      "tpu.region"() ({
        %run_scoped3A = tpu.sem_alloc : memref<!tpu.dma_semaphore, #tpu.memory_space<semaphore_mem>>
        %dma_start3A = arith.constant 9480 : i32
        %dma_start3A_25 = arith.constant 0 : i32
        %dma_start3A_26 = tpu.memref_slice %arg8[%dma_start3A, %dma_start3A_25] : memref<10000x8xf32, #tpu.memory_space<vmem_shared>> -> memref<520x8xf32, #tpu.memory_space<vmem_shared>>
        %dma_start3A_27 = arith.constant 0 : i32
        %dma_start3A_28 = arith.constant 0 : i32
        %dma_start3A_29 = tpu.memref_slice %arg4[%dma_start3A_27, %dma_start3A_28] : memref<632x8xf32, #tpu.memory_space<hbm>> -> memref<520x8xf32, #tpu.memory_space<hbm>>
        tpu.enqueue_dma source(%dma_start3A_29 : memref<520x8xf32, #tpu.memory_space<hbm>>) target(%dma_start3A_26 : memref<520x8xf32, #tpu.memory_space<vmem_shared>>) target_semaphore(%run_scoped3A : memref<!tpu.dma_semaphore, #tpu.memory_space<semaphore_mem>>)
        %dma_wait3A = arith.constant 9480 : i32
        %dma_wait3A_30 = arith.constant 0 : i32
        %dma_wait3A_31 = tpu.memref_slice %arg8[%dma_wait3A, %dma_wait3A_30] : memref<10000x8xf32, #tpu.memory_space<vmem_shared>> -> memref<520x8xf32, #tpu.memory_space<vmem_shared>>
        %dma_wait3A_32 = arith.constant 0 : i32
        %dma_wait3A_33 = arith.constant 0 : i32
        %dma_wait3A_34 = tpu.memref_slice %arg4[%dma_wait3A_32, %dma_wait3A_33] : memref<632x8xf32, #tpu.memory_space<hbm>> -> memref<520x8xf32, #tpu.memory_space<hbm>>
        tpu.wait_dma2 semaphore(%run_scoped3A : memref<!tpu.dma_semaphore, #tpu.memory_space<semaphore_mem>>) src(%dma_wait3A_34 : memref<520x8xf32, #tpu.memory_space<hbm>>) dst(%dma_wait3A_31 : memref<520x8xf32, #tpu.memory_space<vmem_shared>>)
        tpu.yield
      }) : () -> ()
    } else {
    }
    %mul3A_7 = arith.constant 80 : i32
    %mul3A_8 = arith.muli %add3A, %mul3A_7 : i32
    "tpu.region"() ({
      %run_scoped3A = tpu.sem_alloc : memref<!tpu.dma_semaphore, #tpu.memory_space<semaphore_mem>>
      %dma_start3A = arith.constant 0 : i32
      %dma_start3A_25 = tpu.memref_slice %arg2[%mul3A_8, %dma_start3A] : memref<2560x125xi32, #tpu.memory_space<hbm>> -> memref<80x125xi32, #tpu.memory_space<hbm>>
      %dma_start3A_26 = arith.constant 0 : i32
      %dma_start3A_27 = tpu.memref_slice %arg2[%mul3A_8, %dma_start3A_26] : memref<2560x125xi32, #tpu.memory_space<hbm>> -> memref<80x125xi32, #tpu.memory_space<hbm>>
      tpu.enqueue_dma source(%dma_start3A_27 : memref<80x125xi32, #tpu.memory_space<hbm>>) target(%arg6 : memref<80x125xi32, #tpu.memory_space<vmem>>) target_semaphore(%run_scoped3A : memref<!tpu.dma_semaphore, #tpu.memory_space<semaphore_mem>>)
      %dma_wait3A = arith.constant 0 : i32
      %dma_wait3A_28 = tpu.memref_slice %arg2[%mul3A_8, %dma_wait3A] : memref<2560x125xi32, #tpu.memory_space<hbm>> -> memref<80x125xi32, #tpu.memory_space<hbm>>
      %dma_wait3A_29 = arith.constant 0 : i32
      %dma_wait3A_30 = tpu.memref_slice %arg2[%mul3A_8, %dma_wait3A_29] : memref<2560x125xi32, #tpu.memory_space<hbm>> -> memref<80x125xi32, #tpu.memory_space<hbm>>
      tpu.wait_dma2 semaphore(%run_scoped3A : memref<!tpu.dma_semaphore, #tpu.memory_space<semaphore_mem>>) src(%dma_wait3A_30 : memref<80x125xi32, #tpu.memory_space<hbm>>) dst(%arg6 : memref<80x125xi32, #tpu.memory_space<vmem>>)
      tpu.yield
    }) : () -> ()
    "tpu.region"() ({
      %run_scoped3A = tpu.sem_alloc : memref<!tpu.dma_semaphore, #tpu.memory_space<semaphore_mem>>
      tpu.enqueue_dma source(%arg3 : memref<125x8xf32, #tpu.memory_space<hbm>>) target(%arg7 : memref<125x8xf32, #tpu.memory_space<vmem>>) target_semaphore(%run_scoped3A : memref<!tpu.dma_semaphore, #tpu.memory_space<semaphore_mem>>)
      tpu.wait_dma2 semaphore(%run_scoped3A : memref<!tpu.dma_semaphore, #tpu.memory_space<semaphore_mem>>) src(%arg3 : memref<125x8xf32, #tpu.memory_space<hbm>>) dst(%arg7 : memref<125x8xf32, #tpu.memory_space<vmem>>)
      tpu.yield
    }) : () -> ()
    %barrier3A = arith.constant 0 : index
    tpu.barrier barrier_id(%barrier3A)
    %scan3A = arith.constant 0 : i32
    %scan3A_9 = arith.constant 0 : i32
    %scan3A_10 = arith.constant 80 : i32
    %scan3A_11 = arith.addi %scan3A_9, %scan3A_10 : i32
    %scan3A_12 = arith.constant 1 : i32
    scf.for %scan3A_25 = %scan3A_9 to %scan3A_11 step %scan3A_12  : i32 {
      "tpu.region"() ({
        %run_scoped3A = tpu.sem_alloc : memref<!tpu.dma_semaphore, #tpu.memory_space<semaphore_mem>>
        %dma_start3A = arith.constant 0 : i32
        %dma_start3A_26 = tpu.memref_slice %arg6[%scan3A_25, %dma_start3A] : memref<80x125xi32, #tpu.memory_space<vmem>> -> memref<1x125xi32, #tpu.memory_space<vmem>>
        %dma_start3A_27 = tpu.memref_squeeze %dma_start3A_26 : memref<1x125xi32, #tpu.memory_space<vmem>> -> memref<125xi32, #tpu.memory_space<vmem>>
        %dma_start3A_28 = arith.constant 0 : i32
        %dma_start3A_29 = arith.constant 0 : i32
        %dma_start3A_30 = tpu.memref_slice %arg8[%dma_start3A_28, %dma_start3A_29] : memref<10000x8xf32, #tpu.memory_space<vmem_shared>> -> memref<10000x8xf32, #tpu.memory_space<vmem_shared>>
        tpu.enqueue_indirect_dma source(%arg7 : memref<125x8xf32, #tpu.memory_space<vmem>>) target(%dma_start3A_30 : memref<10000x8xf32, #tpu.memory_space<vmem_shared>>) offsets(%dma_start3A_27 : memref<125xi32, #tpu.memory_space<vmem>>) semaphore(%run_scoped3A : memref<!tpu.dma_semaphore, #tpu.memory_space<semaphore_mem>>) {add = true}
        %dma_wait3A = arith.constant 0 : i32
        %dma_wait3A_31 = tpu.memref_slice %arg6[%scan3A_25, %dma_wait3A] : memref<80x125xi32, #tpu.memory_space<vmem>> -> memref<1x125xi32, #tpu.memory_space<vmem>>
        %dma_wait3A_32 = tpu.memref_squeeze %dma_wait3A_31 : memref<1x125xi32, #tpu.memory_space<vmem>> -> memref<125xi32, #tpu.memory_space<vmem>>
        %dma_wait3A_33 = arith.constant 0 : i32
        %dma_wait3A_34 = arith.constant 0 : i32
        %dma_wait3A_35 = tpu.memref_slice %arg8[%dma_wait3A_33, %dma_wait3A_34] : memref<10000x8xf32, #tpu.memory_space<vmem_shared>> -> memref<10000x8xf32, #tpu.memory_space<vmem_shared>>
        tpu.wait_indirect_dma semaphore(%run_scoped3A : memref<!tpu.dma_semaphore, #tpu.memory_space<semaphore_mem>>) src(%arg7 : memref<125x8xf32, #tpu.memory_space<vmem>>) dst(%dma_wait3A_35 : memref<10000x8xf32, #tpu.memory_space<vmem_shared>>)
        tpu.yield
      }) : () -> ()
    }
    %scan3A_13 = arith.constant 80 : i32
    %barrier3A_14 = arith.constant 0 : index
    tpu.barrier barrier_id(%barrier3A_14)
    %lt3A_15 = arith.constant 15 : i32
    %lt3A_16 = arith.cmpi slt, %arg1, %lt3A_15 : i32
    %convert_element_type3A_17 = arith.extui %lt3A_16 : i1 to i32
    %cond3A_18 = arith.constant 0 : i32
    %cond3A_19 = arith.cmpi ne, %convert_element_type3A_17, %cond3A_18 : i32
    scf.if %cond3A_19 {
      %mul3A_25 = arith.constant 632 : i32
      %mul3A_26 = arith.muli %arg1, %mul3A_25 : i32
      %mul3A_27 = arith.constant 632 : i32
      %mul3A_28 = arith.muli %arg1, %mul3A_27 : i32
      "tpu.region"() ({
        %run_scoped3A = tpu.sem_alloc : memref<!tpu.dma_semaphore, #tpu.memory_space<semaphore_mem>>
        %dma_start3A = arith.constant 0 : i32
        %dma_start3A_29 = tpu.memref_slice %arg5[%arg0, %mul3A_28, %dma_start3A] : memref<2x10000x8xf32, #tpu.memory_space<hbm>> -> memref<1x632x8xf32, #tpu.memory_space<hbm>>
        %dma_start3A_30 = tpu.memref_squeeze %dma_start3A_29 : memref<1x632x8xf32, #tpu.memory_space<hbm>> -> memref<632x8xf32, #tpu.memory_space<hbm>>
        %dma_start3A_31 = arith.constant 0 : i32
        %dma_start3A_32 = tpu.memref_slice %arg8[%mul3A_26, %dma_start3A_31] : memref<10000x8xf32, #tpu.memory_space<vmem_shared>> -> memref<632x8xf32, #tpu.memory_space<vmem_shared>>
        tpu.enqueue_dma source(%dma_start3A_32 : memref<632x8xf32, #tpu.memory_space<vmem_shared>>) target(%dma_start3A_30 : memref<632x8xf32, #tpu.memory_space<hbm>>) target_semaphore(%run_scoped3A : memref<!tpu.dma_semaphore, #tpu.memory_space<semaphore_mem>>)
        %dma_wait3A = arith.constant 0 : i32
        %dma_wait3A_33 = tpu.memref_slice %arg5[%arg0, %mul3A_28, %dma_wait3A] : memref<2x10000x8xf32, #tpu.memory_space<hbm>> -> memref<1x632x8xf32, #tpu.memory_space<hbm>>
        %dma_wait3A_34 = tpu.memref_squeeze %dma_wait3A_33 : memref<1x632x8xf32, #tpu.memory_space<hbm>> -> memref<632x8xf32, #tpu.memory_space<hbm>>
        %dma_wait3A_35 = arith.constant 0 : i32
        %dma_wait3A_36 = tpu.memref_slice %arg8[%mul3A_26, %dma_wait3A_35] : memref<10000x8xf32, #tpu.memory_space<vmem_shared>> -> memref<632x8xf32, #tpu.memory_space<vmem_shared>>
        tpu.wait_dma2 semaphore(%run_scoped3A : memref<!tpu.dma_semaphore, #tpu.memory_space<semaphore_mem>>) src(%dma_wait3A_36 : memref<632x8xf32, #tpu.memory_space<vmem_shared>>) dst(%dma_wait3A_34 : memref<632x8xf32, #tpu.memory_space<hbm>>)
        tpu.yield
      }) : () -> ()
    } else {
    }
    %eq3A_20 = arith.constant 15 : i32
    %eq3A_21 = arith.cmpi eq, %arg1, %eq3A_20 : i32
    %convert_element_type3A_22 = arith.extui %eq3A_21 : i1 to i32
    %cond3A_23 = arith.constant 0 : i32
    %cond3A_24 = arith.cmpi ne, %convert_element_type3A_22, %cond3A_23 : i32
    scf.if %cond3A_24 {
      "tpu.region"() ({
        %run_scoped3A = tpu.sem_alloc : memref<!tpu.dma_semaphore, #tpu.memory_space<semaphore_mem>>
        %dma_start3A = arith.constant 9480 : i32
        %dma_start3A_25 = arith.constant 0 : i32
        %dma_start3A_26 = tpu.memref_slice %arg5[%arg0, %dma_start3A, %dma_start3A_25] : memref<2x10000x8xf32, #tpu.memory_space<hbm>> -> memref<1x520x8xf32, #tpu.memory_space<hbm>>
        %dma_start3A_27 = tpu.memref_squeeze %dma_start3A_26 : memref<1x520x8xf32, #tpu.memory_space<hbm>> -> memref<520x8xf32, #tpu.memory_space<hbm>>
        %dma_start3A_28 = arith.constant 9480 : i32
        %dma_start3A_29 = arith.constant 0 : i32
        %dma_start3A_30 = tpu.memref_slice %arg8[%dma_start3A_28, %dma_start3A_29] : memref<10000x8xf32, #tpu.memory_space<vmem_shared>> -> memref<520x8xf32, #tpu.memory_space<vmem_shared>>
        tpu.enqueue_dma source(%dma_start3A_30 : memref<520x8xf32, #tpu.memory_space<vmem_shared>>) target(%dma_start3A_27 : memref<520x8xf32, #tpu.memory_space<hbm>>) target_semaphore(%run_scoped3A : memref<!tpu.dma_semaphore, #tpu.memory_space<semaphore_mem>>)
        %dma_wait3A = arith.constant 9480 : i32
        %dma_wait3A_31 = arith.constant 0 : i32
        %dma_wait3A_32 = tpu.memref_slice %arg5[%arg0, %dma_wait3A, %dma_wait3A_31] : memref<2x10000x8xf32, #tpu.memory_space<hbm>> -> memref<1x520x8xf32, #tpu.memory_space<hbm>>
        %dma_wait3A_33 = tpu.memref_squeeze %dma_wait3A_32 : memref<1x520x8xf32, #tpu.memory_space<hbm>> -> memref<520x8xf32, #tpu.memory_space<hbm>>
        %dma_wait3A_34 = arith.constant 9480 : i32
        %dma_wait3A_35 = arith.constant 0 : i32
        %dma_wait3A_36 = tpu.memref_slice %arg8[%dma_wait3A_34, %dma_wait3A_35] : memref<10000x8xf32, #tpu.memory_space<vmem_shared>> -> memref<520x8xf32, #tpu.memory_space<vmem_shared>>
        tpu.wait_dma2 semaphore(%run_scoped3A : memref<!tpu.dma_semaphore, #tpu.memory_space<semaphore_mem>>) src(%dma_wait3A_36 : memref<520x8xf32, #tpu.memory_space<vmem_shared>>) dst(%dma_wait3A_33 : memref<520x8xf32, #tpu.memory_space<hbm>>)
        tpu.yield
      }) : () -> ()
    } else {
    }
    return
  }
}

#map = affine_map<(d0, d1) -> (0, 0, 0)>
#map1 = affine_map<(d0, d1) -> (0, 0)>
module attributes {stable_mosaic.version = 14 : i64} {
  func.func @_prop_kernel(%arg0: i32, %arg1: i32, %arg2: memref<2560x2x125xi32, #tpu.memory_space<hbm>>, %arg3: memref<10000x128xf32, #tpu.memory_space<hbm>>, %arg4: memref<632x128xf32, #tpu.memory_space<hbm>>, %arg5: memref<2x10000x128xf32, #tpu.memory_space<hbm>>, %arg6: memref<2x125xi32, #tpu.memory_space<vmem>>, %arg7: memref<2x125xi32, #tpu.memory_space<vmem>>, %arg8: memref<125x128xf32, #tpu.memory_space<vmem>>, %arg9: memref<125x128xf32, #tpu.memory_space<vmem>>, %arg10: memref<10000x128xf32, #tpu.memory_space<vmem_shared>>, %arg11: memref<!tpu.dma_semaphore, #tpu.memory_space<semaphore_mem>>, %arg12: memref<!tpu.dma_semaphore, #tpu.memory_space<semaphore_mem>>, %arg13: memref<!tpu.dma_semaphore, #tpu.memory_space<semaphore_mem>>, %arg14: memref<!tpu.dma_semaphore, #tpu.memory_space<semaphore_mem>>) attributes {dimension_semantics = [#tpu.dimension_semantics<core_parallel>, #tpu.dimension_semantics<subcore_parallel>], iteration_bounds = array<i64: 2, 16>, scalar_prefetch = 0 : i64, scratch_operands = 9 : i64, tpu.core_type = #tpu.core_type<sc_vector_subcore>, window_params = [{transform_indices = #map}, {transform_indices = #map1}, {transform_indices = #map1}, {transform_indices = #map}]} {
    %mul3A = arith.constant 16 : i32
    %mul3A_0 = arith.muli %arg0, %mul3A : i32
    %add3A = arith.addi %mul3A_0, %arg1 : i32
    %mul3A_1 = arith.constant 80 : i32
    %mul3A_2 = arith.muli %add3A, %mul3A_1 : i32
    %lt3A = arith.constant 15 : i32
    %lt3A_3 = arith.cmpi slt, %arg1, %lt3A : i32
    %convert_element_type3A = arith.extui %lt3A_3 : i1 to i32
    %cond3A = arith.constant 0 : i32
    %cond3A_4 = arith.cmpi ne, %convert_element_type3A, %cond3A : i32
    scf.if %cond3A_4 {
      %mul3A_41 = arith.constant 632 : i32
      %mul3A_42 = arith.muli %arg1, %mul3A_41 : i32
      "tpu.region"() ({
        %run_scoped3A = tpu.sem_alloc : memref<!tpu.dma_semaphore, #tpu.memory_space<semaphore_mem>>
        %dma_start3A_43 = arith.constant 0 : i32
        %dma_start3A_44 = tpu.memref_slice %arg10[%mul3A_42, %dma_start3A_43] : memref<10000x128xf32, #tpu.memory_space<vmem_shared>> -> memref<632x128xf32, #tpu.memory_space<vmem_shared>>
        tpu.enqueue_dma source(%arg4 : memref<632x128xf32, #tpu.memory_space<hbm>>) target(%dma_start3A_44 : memref<632x128xf32, #tpu.memory_space<vmem_shared>>) target_semaphore(%run_scoped3A : memref<!tpu.dma_semaphore, #tpu.memory_space<semaphore_mem>>)
        %dma_wait3A = arith.constant 0 : i32
        %dma_wait3A_45 = tpu.memref_slice %arg10[%mul3A_42, %dma_wait3A] : memref<10000x128xf32, #tpu.memory_space<vmem_shared>> -> memref<632x128xf32, #tpu.memory_space<vmem_shared>>
        tpu.wait_dma2 semaphore(%run_scoped3A : memref<!tpu.dma_semaphore, #tpu.memory_space<semaphore_mem>>) src(%arg4 : memref<632x128xf32, #tpu.memory_space<hbm>>) dst(%dma_wait3A_45 : memref<632x128xf32, #tpu.memory_space<vmem_shared>>)
        tpu.yield
      }) : () -> ()
    } else {
    }
    %eq3A = arith.constant 15 : i32
    %eq3A_5 = arith.cmpi eq, %arg1, %eq3A : i32
    %convert_element_type3A_6 = arith.extui %eq3A_5 : i1 to i32
    %cond3A_7 = arith.constant 0 : i32
    %cond3A_8 = arith.cmpi ne, %convert_element_type3A_6, %cond3A_7 : i32
    scf.if %cond3A_8 {
      "tpu.region"() ({
        %run_scoped3A = tpu.sem_alloc : memref<!tpu.dma_semaphore, #tpu.memory_space<semaphore_mem>>
        %dma_start3A_41 = arith.constant 9480 : i32
        %dma_start3A_42 = arith.constant 0 : i32
        %dma_start3A_43 = tpu.memref_slice %arg10[%dma_start3A_41, %dma_start3A_42] : memref<10000x128xf32, #tpu.memory_space<vmem_shared>> -> memref<520x128xf32, #tpu.memory_space<vmem_shared>>
        %dma_start3A_44 = arith.constant 0 : i32
        %dma_start3A_45 = arith.constant 0 : i32
        %dma_start3A_46 = tpu.memref_slice %arg4[%dma_start3A_44, %dma_start3A_45] : memref<632x128xf32, #tpu.memory_space<hbm>> -> memref<520x128xf32, #tpu.memory_space<hbm>>
        tpu.enqueue_dma source(%dma_start3A_46 : memref<520x128xf32, #tpu.memory_space<hbm>>) target(%dma_start3A_43 : memref<520x128xf32, #tpu.memory_space<vmem_shared>>) target_semaphore(%run_scoped3A : memref<!tpu.dma_semaphore, #tpu.memory_space<semaphore_mem>>)
        %dma_wait3A = arith.constant 9480 : i32
        %dma_wait3A_47 = arith.constant 0 : i32
        %dma_wait3A_48 = tpu.memref_slice %arg10[%dma_wait3A, %dma_wait3A_47] : memref<10000x128xf32, #tpu.memory_space<vmem_shared>> -> memref<520x128xf32, #tpu.memory_space<vmem_shared>>
        %dma_wait3A_49 = arith.constant 0 : i32
        %dma_wait3A_50 = arith.constant 0 : i32
        %dma_wait3A_51 = tpu.memref_slice %arg4[%dma_wait3A_49, %dma_wait3A_50] : memref<632x128xf32, #tpu.memory_space<hbm>> -> memref<520x128xf32, #tpu.memory_space<hbm>>
        tpu.wait_dma2 semaphore(%run_scoped3A : memref<!tpu.dma_semaphore, #tpu.memory_space<semaphore_mem>>) src(%dma_wait3A_51 : memref<520x128xf32, #tpu.memory_space<hbm>>) dst(%dma_wait3A_48 : memref<520x128xf32, #tpu.memory_space<vmem_shared>>)
        tpu.yield
      }) : () -> ()
    } else {
    }
    %barrier3A = arith.constant 0 : index
    tpu.barrier barrier_id(%barrier3A)
    "tpu.region"() ({
      %run_scoped3A = tpu.sem_alloc : memref<!tpu.dma_semaphore, #tpu.memory_space<semaphore_mem>>
      %dma_start3A_41 = arith.constant 0 : i32
      %dma_start3A_42 = arith.constant 0 : i32
      %dma_start3A_43 = tpu.memref_slice %arg2[%mul3A_2, %dma_start3A_41, %dma_start3A_42] : memref<2560x2x125xi32, #tpu.memory_space<hbm>> -> memref<1x2x125xi32, #tpu.memory_space<hbm>>
      %dma_start3A_44 = tpu.memref_squeeze %dma_start3A_43 : memref<1x2x125xi32, #tpu.memory_space<hbm>> -> memref<2x125xi32, #tpu.memory_space<hbm>>
      %dma_start3A_45 = arith.constant 0 : i32
      %dma_start3A_46 = arith.constant 0 : i32
      %dma_start3A_47 = tpu.memref_slice %arg2[%mul3A_2, %dma_start3A_45, %dma_start3A_46] : memref<2560x2x125xi32, #tpu.memory_space<hbm>> -> memref<1x2x125xi32, #tpu.memory_space<hbm>>
      %dma_start3A_48 = tpu.memref_squeeze %dma_start3A_47 : memref<1x2x125xi32, #tpu.memory_space<hbm>> -> memref<2x125xi32, #tpu.memory_space<hbm>>
      tpu.enqueue_dma source(%dma_start3A_48 : memref<2x125xi32, #tpu.memory_space<hbm>>) target(%arg6 : memref<2x125xi32, #tpu.memory_space<vmem>>) target_semaphore(%run_scoped3A : memref<!tpu.dma_semaphore, #tpu.memory_space<semaphore_mem>>)
      %dma_wait3A = arith.constant 0 : i32
      %dma_wait3A_49 = arith.constant 0 : i32
      %dma_wait3A_50 = tpu.memref_slice %arg2[%mul3A_2, %dma_wait3A, %dma_wait3A_49] : memref<2560x2x125xi32, #tpu.memory_space<hbm>> -> memref<1x2x125xi32, #tpu.memory_space<hbm>>
      %dma_wait3A_51 = tpu.memref_squeeze %dma_wait3A_50 : memref<1x2x125xi32, #tpu.memory_space<hbm>> -> memref<2x125xi32, #tpu.memory_space<hbm>>
      %dma_wait3A_52 = arith.constant 0 : i32
      %dma_wait3A_53 = arith.constant 0 : i32
      %dma_wait3A_54 = tpu.memref_slice %arg2[%mul3A_2, %dma_wait3A_52, %dma_wait3A_53] : memref<2560x2x125xi32, #tpu.memory_space<hbm>> -> memref<1x2x125xi32, #tpu.memory_space<hbm>>
      %dma_wait3A_55 = tpu.memref_squeeze %dma_wait3A_54 : memref<1x2x125xi32, #tpu.memory_space<hbm>> -> memref<2x125xi32, #tpu.memory_space<hbm>>
      tpu.wait_dma2 semaphore(%run_scoped3A : memref<!tpu.dma_semaphore, #tpu.memory_space<semaphore_mem>>) src(%dma_wait3A_55 : memref<2x125xi32, #tpu.memory_space<hbm>>) dst(%arg6 : memref<2x125xi32, #tpu.memory_space<vmem>>)
      tpu.yield
    }) : () -> ()
    %dma_start3A = arith.constant 0 : i32
    %dma_start3A_9 = arith.constant 0 : i32
    %dma_start3A_10 = tpu.memref_slice %arg6[%dma_start3A, %dma_start3A_9] : memref<2x125xi32, #tpu.memory_space<vmem>> -> memref<1x125xi32, #tpu.memory_space<vmem>>
    %dma_start3A_11 = tpu.memref_squeeze %dma_start3A_10 : memref<1x125xi32, #tpu.memory_space<vmem>> -> memref<125xi32, #tpu.memory_space<vmem>>
    %dma_start3A_12 = arith.constant 0 : i32
    %dma_start3A_13 = arith.constant 0 : i32
    %dma_start3A_14 = tpu.memref_slice %arg3[%dma_start3A_12, %dma_start3A_13] : memref<10000x128xf32, #tpu.memory_space<hbm>> -> memref<10000x128xf32, #tpu.memory_space<hbm>>
    tpu.enqueue_indirect_dma source(%dma_start3A_14 : memref<10000x128xf32, #tpu.memory_space<hbm>>) target(%arg8 : memref<125x128xf32, #tpu.memory_space<vmem>>) offsets(%dma_start3A_11 : memref<125xi32, #tpu.memory_space<vmem>>) semaphore(%arg13 : memref<!tpu.dma_semaphore, #tpu.memory_space<semaphore_mem>>)
    %add3A_15 = arith.constant 1 : i32
    %add3A_16 = arith.addi %mul3A_2, %add3A_15 : i32
    %dma_start3A_17 = arith.constant 0 : i32
    %dma_start3A_18 = arith.constant 0 : i32
    %dma_start3A_19 = tpu.memref_slice %arg2[%add3A_16, %dma_start3A_17, %dma_start3A_18] : memref<2560x2x125xi32, #tpu.memory_space<hbm>> -> memref<1x2x125xi32, #tpu.memory_space<hbm>>
    %dma_start3A_20 = tpu.memref_squeeze %dma_start3A_19 : memref<1x2x125xi32, #tpu.memory_space<hbm>> -> memref<2x125xi32, #tpu.memory_space<hbm>>
    %dma_start3A_21 = arith.constant 0 : i32
    %dma_start3A_22 = arith.constant 0 : i32
    %dma_start3A_23 = tpu.memref_slice %arg2[%add3A_16, %dma_start3A_21, %dma_start3A_22] : memref<2560x2x125xi32, #tpu.memory_space<hbm>> -> memref<1x2x125xi32, #tpu.memory_space<hbm>>
    %dma_start3A_24 = tpu.memref_squeeze %dma_start3A_23 : memref<1x2x125xi32, #tpu.memory_space<hbm>> -> memref<2x125xi32, #tpu.memory_space<hbm>>
    tpu.enqueue_dma source(%dma_start3A_24 : memref<2x125xi32, #tpu.memory_space<hbm>>) target(%arg7 : memref<2x125xi32, #tpu.memory_space<vmem>>) target_semaphore(%arg12 : memref<!tpu.dma_semaphore, #tpu.memory_space<semaphore_mem>>)
    %scan3A = arith.constant 0 : i32
    %scan3A_25 = arith.constant 0 : i32
    %scan3A_26 = arith.constant 40 : i32
    %scan3A_27 = arith.addi %scan3A_25, %scan3A_26 : i32
    %scan3A_28 = arith.constant 1 : i32
    scf.for %scan3A_41 = %scan3A_25 to %scan3A_27 step %scan3A_28  : i32 {
      %mul3A_42 = arith.constant 2 : i32
      %mul3A_43 = arith.muli %mul3A_42, %scan3A_41 : i32
      %mul3A_44 = arith.constant 2 : i32
      %mul3A_45 = arith.muli %mul3A_44, %scan3A_41 : i32
      %add3A_46 = arith.constant 1 : i32
      %add3A_47 = arith.addi %mul3A_45, %add3A_46 : i32
      %dma_wait3A = arith.constant 0 : i32
      %dma_wait3A_48 = arith.constant 0 : i32
      %dma_wait3A_49 = tpu.memref_slice %arg6[%dma_wait3A, %dma_wait3A_48] : memref<2x125xi32, #tpu.memory_space<vmem>> -> memref<1x125xi32, #tpu.memory_space<vmem>>
      %dma_wait3A_50 = tpu.memref_squeeze %dma_wait3A_49 : memref<1x125xi32, #tpu.memory_space<vmem>> -> memref<125xi32, #tpu.memory_space<vmem>>
      %dma_wait3A_51 = arith.constant 0 : i32
      %dma_wait3A_52 = arith.constant 0 : i32
      %dma_wait3A_53 = tpu.memref_slice %arg3[%dma_wait3A_51, %dma_wait3A_52] : memref<10000x128xf32, #tpu.memory_space<hbm>> -> memref<10000x128xf32, #tpu.memory_space<hbm>>
      tpu.wait_indirect_dma semaphore(%arg13 : memref<!tpu.dma_semaphore, #tpu.memory_space<semaphore_mem>>) src(%dma_wait3A_53 : memref<10000x128xf32, #tpu.memory_space<hbm>>) dst(%arg8 : memref<125x128xf32, #tpu.memory_space<vmem>>)
      %add3A_54 = arith.addi %mul3A_2, %add3A_47 : i32
      %dma_wait3A_55 = arith.constant 0 : i32
      %dma_wait3A_56 = arith.constant 0 : i32
      %dma_wait3A_57 = tpu.memref_slice %arg2[%add3A_54, %dma_wait3A_55, %dma_wait3A_56] : memref<2560x2x125xi32, #tpu.memory_space<hbm>> -> memref<1x2x125xi32, #tpu.memory_space<hbm>>
      %dma_wait3A_58 = tpu.memref_squeeze %dma_wait3A_57 : memref<1x2x125xi32, #tpu.memory_space<hbm>> -> memref<2x125xi32, #tpu.memory_space<hbm>>
      %dma_wait3A_59 = arith.constant 0 : i32
      %dma_wait3A_60 = arith.constant 0 : i32
      %dma_wait3A_61 = tpu.memref_slice %arg2[%add3A_54, %dma_wait3A_59, %dma_wait3A_60] : memref<2560x2x125xi32, #tpu.memory_space<hbm>> -> memref<1x2x125xi32, #tpu.memory_space<hbm>>
      %dma_wait3A_62 = tpu.memref_squeeze %dma_wait3A_61 : memref<1x2x125xi32, #tpu.memory_space<hbm>> -> memref<2x125xi32, #tpu.memory_space<hbm>>
      tpu.wait_dma2 semaphore(%arg12 : memref<!tpu.dma_semaphore, #tpu.memory_space<semaphore_mem>>) src(%dma_wait3A_62 : memref<2x125xi32, #tpu.memory_space<hbm>>) dst(%arg7 : memref<2x125xi32, #tpu.memory_space<vmem>>)
      %dma_start3A_63 = arith.constant 0 : i32
      %dma_start3A_64 = arith.constant 0 : i32
      %dma_start3A_65 = tpu.memref_slice %arg7[%dma_start3A_63, %dma_start3A_64] : memref<2x125xi32, #tpu.memory_space<vmem>> -> memref<1x125xi32, #tpu.memory_space<vmem>>
      %dma_start3A_66 = tpu.memref_squeeze %dma_start3A_65 : memref<1x125xi32, #tpu.memory_space<vmem>> -> memref<125xi32, #tpu.memory_space<vmem>>
      %dma_start3A_67 = arith.constant 0 : i32
      %dma_start3A_68 = arith.constant 0 : i32
      %dma_start3A_69 = tpu.memref_slice %arg3[%dma_start3A_67, %dma_start3A_68] : memref<10000x128xf32, #tpu.memory_space<hbm>> -> memref<10000x128xf32, #tpu.memory_space<hbm>>
      tpu.enqueue_indirect_dma source(%dma_start3A_69 : memref<10000x128xf32, #tpu.memory_space<hbm>>) target(%arg9 : memref<125x128xf32, #tpu.memory_space<vmem>>) offsets(%dma_start3A_66 : memref<125xi32, #tpu.memory_space<vmem>>) semaphore(%arg14 : memref<!tpu.dma_semaphore, #tpu.memory_space<semaphore_mem>>)
      %run_scoped3A = arith.constant 1 : i32
      "tpu.region"() ({
        %run_scoped3A_99 = tpu.sem_alloc : memref<!tpu.dma_semaphore, #tpu.memory_space<semaphore_mem>>
        %dma_start3A_100 = arith.constant 0 : i32
        %dma_start3A_101 = tpu.memref_slice %arg6[%run_scoped3A, %dma_start3A_100] : memref<2x125xi32, #tpu.memory_space<vmem>> -> memref<1x125xi32, #tpu.memory_space<vmem>>
        %dma_start3A_102 = tpu.memref_squeeze %dma_start3A_101 : memref<1x125xi32, #tpu.memory_space<vmem>> -> memref<125xi32, #tpu.memory_space<vmem>>
        %dma_start3A_103 = arith.constant 0 : i32
        %dma_start3A_104 = arith.constant 0 : i32
        %dma_start3A_105 = tpu.memref_slice %arg10[%dma_start3A_103, %dma_start3A_104] : memref<10000x128xf32, #tpu.memory_space<vmem_shared>> -> memref<10000x128xf32, #tpu.memory_space<vmem_shared>>
        tpu.enqueue_indirect_dma source(%arg8 : memref<125x128xf32, #tpu.memory_space<vmem>>) target(%dma_start3A_105 : memref<10000x128xf32, #tpu.memory_space<vmem_shared>>) offsets(%dma_start3A_102 : memref<125xi32, #tpu.memory_space<vmem>>) semaphore(%run_scoped3A_99 : memref<!tpu.dma_semaphore, #tpu.memory_space<semaphore_mem>>) {add = true}
        %dma_wait3A_106 = arith.constant 0 : i32
        %dma_wait3A_107 = tpu.memref_slice %arg6[%run_scoped3A, %dma_wait3A_106] : memref<2x125xi32, #tpu.memory_space<vmem>> -> memref<1x125xi32, #tpu.memory_space<vmem>>
        %dma_wait3A_108 = tpu.memref_squeeze %dma_wait3A_107 : memref<1x125xi32, #tpu.memory_space<vmem>> -> memref<125xi32, #tpu.memory_space<vmem>>
        %dma_wait3A_109 = arith.constant 0 : i32
        %dma_wait3A_110 = arith.constant 0 : i32
        %dma_wait3A_111 = tpu.memref_slice %arg10[%dma_wait3A_109, %dma_wait3A_110] : memref<10000x128xf32, #tpu.memory_space<vmem_shared>> -> memref<10000x128xf32, #tpu.memory_space<vmem_shared>>
        tpu.wait_indirect_dma semaphore(%run_scoped3A_99 : memref<!tpu.dma_semaphore, #tpu.memory_space<semaphore_mem>>) src(%arg8 : memref<125x128xf32, #tpu.memory_space<vmem>>) dst(%dma_wait3A_111 : memref<10000x128xf32, #tpu.memory_space<vmem_shared>>)
        tpu.yield
      }) : () -> ()
      %add3A_70 = arith.constant 2 : i32
      %add3A_71 = arith.addi %mul3A_43, %add3A_70 : i32
      %lt3A_72 = arith.constant 80 : i32
      %lt3A_73 = arith.cmpi slt, %add3A_71, %lt3A_72 : i32
      %convert_element_type3A_74 = arith.extui %lt3A_73 : i1 to i32
      %cond3A_75 = arith.constant 0 : i32
      %cond3A_76 = arith.cmpi ne, %convert_element_type3A_74, %cond3A_75 : i32
      scf.if %cond3A_76 {
        %add3A_99 = arith.addi %mul3A_2, %mul3A_43 : i32
        %add3A_100 = arith.constant 2 : i32
        %add3A_101 = arith.addi %add3A_99, %add3A_100 : i32
        %dma_start3A_102 = arith.constant 0 : i32
        %dma_start3A_103 = arith.constant 0 : i32
        %dma_start3A_104 = tpu.memref_slice %arg2[%add3A_101, %dma_start3A_102, %dma_start3A_103] : memref<2560x2x125xi32, #tpu.memory_space<hbm>> -> memref<1x2x125xi32, #tpu.memory_space<hbm>>
        %dma_start3A_105 = tpu.memref_squeeze %dma_start3A_104 : memref<1x2x125xi32, #tpu.memory_space<hbm>> -> memref<2x125xi32, #tpu.memory_space<hbm>>
        %dma_start3A_106 = arith.constant 0 : i32
        %dma_start3A_107 = arith.constant 0 : i32
        %dma_start3A_108 = tpu.memref_slice %arg2[%add3A_101, %dma_start3A_106, %dma_start3A_107] : memref<2560x2x125xi32, #tpu.memory_space<hbm>> -> memref<1x2x125xi32, #tpu.memory_space<hbm>>
        %dma_start3A_109 = tpu.memref_squeeze %dma_start3A_108 : memref<1x2x125xi32, #tpu.memory_space<hbm>> -> memref<2x125xi32, #tpu.memory_space<hbm>>
        tpu.enqueue_dma source(%dma_start3A_109 : memref<2x125xi32, #tpu.memory_space<hbm>>) target(%arg6 : memref<2x125xi32, #tpu.memory_space<vmem>>) target_semaphore(%arg11 : memref<!tpu.dma_semaphore, #tpu.memory_space<semaphore_mem>>)
      } else {
      }
      %dma_wait3A_77 = arith.constant 0 : i32
      %dma_wait3A_78 = arith.constant 0 : i32
      %dma_wait3A_79 = tpu.memref_slice %arg7[%dma_wait3A_77, %dma_wait3A_78] : memref<2x125xi32, #tpu.memory_space<vmem>> -> memref<1x125xi32, #tpu.memory_space<vmem>>
      %dma_wait3A_80 = tpu.memref_squeeze %dma_wait3A_79 : memref<1x125xi32, #tpu.memory_space<vmem>> -> memref<125xi32, #tpu.memory_space<vmem>>
      %dma_wait3A_81 = arith.constant 0 : i32
      %dma_wait3A_82 = arith.constant 0 : i32
      %dma_wait3A_83 = tpu.memref_slice %arg3[%dma_wait3A_81, %dma_wait3A_82] : memref<10000x128xf32, #tpu.memory_space<hbm>> -> memref<10000x128xf32, #tpu.memory_space<hbm>>
      tpu.wait_indirect_dma semaphore(%arg14 : memref<!tpu.dma_semaphore, #tpu.memory_space<semaphore_mem>>) src(%dma_wait3A_83 : memref<10000x128xf32, #tpu.memory_space<hbm>>) dst(%arg9 : memref<125x128xf32, #tpu.memory_space<vmem>>)
      %add3A_84 = arith.constant 2 : i32
      %add3A_85 = arith.addi %mul3A_43, %add3A_84 : i32
      %lt3A_86 = arith.constant 80 : i32
      %lt3A_87 = arith.cmpi slt, %add3A_85, %lt3A_86 : i32
      %convert_element_type3A_88 = arith.extui %lt3A_87 : i1 to i32
      %cond3A_89 = arith.constant 0 : i32
      %cond3A_90 = arith.cmpi ne, %convert_element_type3A_88, %cond3A_89 : i32
      scf.if %cond3A_90 {
        %add3A_99 = arith.addi %mul3A_2, %mul3A_43 : i32
        %add3A_100 = arith.constant 2 : i32
        %add3A_101 = arith.addi %add3A_99, %add3A_100 : i32
        %dma_wait3A_102 = arith.constant 0 : i32
        %dma_wait3A_103 = arith.constant 0 : i32
        %dma_wait3A_104 = tpu.memref_slice %arg2[%add3A_101, %dma_wait3A_102, %dma_wait3A_103] : memref<2560x2x125xi32, #tpu.memory_space<hbm>> -> memref<1x2x125xi32, #tpu.memory_space<hbm>>
        %dma_wait3A_105 = tpu.memref_squeeze %dma_wait3A_104 : memref<1x2x125xi32, #tpu.memory_space<hbm>> -> memref<2x125xi32, #tpu.memory_space<hbm>>
        %dma_wait3A_106 = arith.constant 0 : i32
        %dma_wait3A_107 = arith.constant 0 : i32
        %dma_wait3A_108 = tpu.memref_slice %arg2[%add3A_101, %dma_wait3A_106, %dma_wait3A_107] : memref<2560x2x125xi32, #tpu.memory_space<hbm>> -> memref<1x2x125xi32, #tpu.memory_space<hbm>>
        %dma_wait3A_109 = tpu.memref_squeeze %dma_wait3A_108 : memref<1x2x125xi32, #tpu.memory_space<hbm>> -> memref<2x125xi32, #tpu.memory_space<hbm>>
        tpu.wait_dma2 semaphore(%arg11 : memref<!tpu.dma_semaphore, #tpu.memory_space<semaphore_mem>>) src(%dma_wait3A_109 : memref<2x125xi32, #tpu.memory_space<hbm>>) dst(%arg6 : memref<2x125xi32, #tpu.memory_space<vmem>>)
        %dma_start3A_110 = arith.constant 0 : i32
        %dma_start3A_111 = arith.constant 0 : i32
        %dma_start3A_112 = tpu.memref_slice %arg6[%dma_start3A_110, %dma_start3A_111] : memref<2x125xi32, #tpu.memory_space<vmem>> -> memref<1x125xi32, #tpu.memory_space<vmem>>
        %dma_start3A_113 = tpu.memref_squeeze %dma_start3A_112 : memref<1x125xi32, #tpu.memory_space<vmem>> -> memref<125xi32, #tpu.memory_space<vmem>>
        %dma_start3A_114 = arith.constant 0 : i32
        %dma_start3A_115 = arith.constant 0 : i32
        %dma_start3A_116 = tpu.memref_slice %arg3[%dma_start3A_114, %dma_start3A_115] : memref<10000x128xf32, #tpu.memory_space<hbm>> -> memref<10000x128xf32, #tpu.memory_space<hbm>>
        tpu.enqueue_indirect_dma source(%dma_start3A_116 : memref<10000x128xf32, #tpu.memory_space<hbm>>) target(%arg8 : memref<125x128xf32, #tpu.memory_space<vmem>>) offsets(%dma_start3A_113 : memref<125xi32, #tpu.memory_space<vmem>>) semaphore(%arg13 : memref<!tpu.dma_semaphore, #tpu.memory_space<semaphore_mem>>)
      } else {
      }
      %run_scoped3A_91 = arith.constant 1 : i32
      "tpu.region"() ({
        %run_scoped3A_99 = tpu.sem_alloc : memref<!tpu.dma_semaphore, #tpu.memory_space<semaphore_mem>>
        %dma_start3A_100 = arith.constant 0 : i32
        %dma_start3A_101 = tpu.memref_slice %arg7[%run_scoped3A_91, %dma_start3A_100] : memref<2x125xi32, #tpu.memory_space<vmem>> -> memref<1x125xi32, #tpu.memory_space<vmem>>
        %dma_start3A_102 = tpu.memref_squeeze %dma_start3A_101 : memref<1x125xi32, #tpu.memory_space<vmem>> -> memref<125xi32, #tpu.memory_space<vmem>>
        %dma_start3A_103 = arith.constant 0 : i32
        %dma_start3A_104 = arith.constant 0 : i32
        %dma_start3A_105 = tpu.memref_slice %arg10[%dma_start3A_103, %dma_start3A_104] : memref<10000x128xf32, #tpu.memory_space<vmem_shared>> -> memref<10000x128xf32, #tpu.memory_space<vmem_shared>>
        tpu.enqueue_indirect_dma source(%arg9 : memref<125x128xf32, #tpu.memory_space<vmem>>) target(%dma_start3A_105 : memref<10000x128xf32, #tpu.memory_space<vmem_shared>>) offsets(%dma_start3A_102 : memref<125xi32, #tpu.memory_space<vmem>>) semaphore(%run_scoped3A_99 : memref<!tpu.dma_semaphore, #tpu.memory_space<semaphore_mem>>) {add = true}
        %dma_wait3A_106 = arith.constant 0 : i32
        %dma_wait3A_107 = tpu.memref_slice %arg7[%run_scoped3A_91, %dma_wait3A_106] : memref<2x125xi32, #tpu.memory_space<vmem>> -> memref<1x125xi32, #tpu.memory_space<vmem>>
        %dma_wait3A_108 = tpu.memref_squeeze %dma_wait3A_107 : memref<1x125xi32, #tpu.memory_space<vmem>> -> memref<125xi32, #tpu.memory_space<vmem>>
        %dma_wait3A_109 = arith.constant 0 : i32
        %dma_wait3A_110 = arith.constant 0 : i32
        %dma_wait3A_111 = tpu.memref_slice %arg10[%dma_wait3A_109, %dma_wait3A_110] : memref<10000x128xf32, #tpu.memory_space<vmem_shared>> -> memref<10000x128xf32, #tpu.memory_space<vmem_shared>>
        tpu.wait_indirect_dma semaphore(%run_scoped3A_99 : memref<!tpu.dma_semaphore, #tpu.memory_space<semaphore_mem>>) src(%arg9 : memref<125x128xf32, #tpu.memory_space<vmem>>) dst(%dma_wait3A_111 : memref<10000x128xf32, #tpu.memory_space<vmem_shared>>)
        tpu.yield
      }) : () -> ()
      %add3A_92 = arith.constant 2 : i32
      %add3A_93 = arith.addi %add3A_47, %add3A_92 : i32
      %lt3A_94 = arith.constant 80 : i32
      %lt3A_95 = arith.cmpi slt, %add3A_93, %lt3A_94 : i32
      %convert_element_type3A_96 = arith.extui %lt3A_95 : i1 to i32
      %cond3A_97 = arith.constant 0 : i32
      %cond3A_98 = arith.cmpi ne, %convert_element_type3A_96, %cond3A_97 : i32
      scf.if %cond3A_98 {
        %add3A_99 = arith.addi %mul3A_2, %add3A_47 : i32
        %add3A_100 = arith.constant 2 : i32
        %add3A_101 = arith.addi %add3A_99, %add3A_100 : i32
        %dma_start3A_102 = arith.constant 0 : i32
        %dma_start3A_103 = arith.constant 0 : i32
        %dma_start3A_104 = tpu.memref_slice %arg2[%add3A_101, %dma_start3A_102, %dma_start3A_103] : memref<2560x2x125xi32, #tpu.memory_space<hbm>> -> memref<1x2x125xi32, #tpu.memory_space<hbm>>
        %dma_start3A_105 = tpu.memref_squeeze %dma_start3A_104 : memref<1x2x125xi32, #tpu.memory_space<hbm>> -> memref<2x125xi32, #tpu.memory_space<hbm>>
        %dma_start3A_106 = arith.constant 0 : i32
        %dma_start3A_107 = arith.constant 0 : i32
        %dma_start3A_108 = tpu.memref_slice %arg2[%add3A_101, %dma_start3A_106, %dma_start3A_107] : memref<2560x2x125xi32, #tpu.memory_space<hbm>> -> memref<1x2x125xi32, #tpu.memory_space<hbm>>
        %dma_start3A_109 = tpu.memref_squeeze %dma_start3A_108 : memref<1x2x125xi32, #tpu.memory_space<hbm>> -> memref<2x125xi32, #tpu.memory_space<hbm>>
        tpu.enqueue_dma source(%dma_start3A_109 : memref<2x125xi32, #tpu.memory_space<hbm>>) target(%arg7 : memref<2x125xi32, #tpu.memory_space<vmem>>) target_semaphore(%arg12 : memref<!tpu.dma_semaphore, #tpu.memory_space<semaphore_mem>>)
      } else {
      }
    }
    %scan3A_29 = arith.constant 40 : i32
    %barrier3A_30 = arith.constant 0 : index
    tpu.barrier barrier_id(%barrier3A_30)
    %lt3A_31 = arith.constant 15 : i32
    %lt3A_32 = arith.cmpi slt, %arg1, %lt3A_31 : i32
    %convert_element_type3A_33 = arith.extui %lt3A_32 : i1 to i32
    %cond3A_34 = arith.constant 0 : i32
    %cond3A_35 = arith.cmpi ne, %convert_element_type3A_33, %cond3A_34 : i32
    scf.if %cond3A_35 {
      %mul3A_41 = arith.constant 632 : i32
      %mul3A_42 = arith.muli %arg1, %mul3A_41 : i32
      %mul3A_43 = arith.constant 632 : i32
      %mul3A_44 = arith.muli %arg1, %mul3A_43 : i32
      "tpu.region"() ({
        %run_scoped3A = tpu.sem_alloc : memref<!tpu.dma_semaphore, #tpu.memory_space<semaphore_mem>>
        %dma_start3A_45 = arith.constant 0 : i32
        %dma_start3A_46 = tpu.memref_slice %arg5[%arg0, %mul3A_44, %dma_start3A_45] : memref<2x10000x128xf32, #tpu.memory_space<hbm>> -> memref<1x632x128xf32, #tpu.memory_space<hbm>>
        %dma_start3A_47 = tpu.memref_squeeze %dma_start3A_46 : memref<1x632x128xf32, #tpu.memory_space<hbm>> -> memref<632x128xf32, #tpu.memory_space<hbm>>
        %dma_start3A_48 = arith.constant 0 : i32
        %dma_start3A_49 = tpu.memref_slice %arg10[%mul3A_42, %dma_start3A_48] : memref<10000x128xf32, #tpu.memory_space<vmem_shared>> -> memref<632x128xf32, #tpu.memory_space<vmem_shared>>
        tpu.enqueue_dma source(%dma_start3A_49 : memref<632x128xf32, #tpu.memory_space<vmem_shared>>) target(%dma_start3A_47 : memref<632x128xf32, #tpu.memory_space<hbm>>) target_semaphore(%run_scoped3A : memref<!tpu.dma_semaphore, #tpu.memory_space<semaphore_mem>>)
        %dma_wait3A = arith.constant 0 : i32
        %dma_wait3A_50 = tpu.memref_slice %arg5[%arg0, %mul3A_44, %dma_wait3A] : memref<2x10000x128xf32, #tpu.memory_space<hbm>> -> memref<1x632x128xf32, #tpu.memory_space<hbm>>
        %dma_wait3A_51 = tpu.memref_squeeze %dma_wait3A_50 : memref<1x632x128xf32, #tpu.memory_space<hbm>> -> memref<632x128xf32, #tpu.memory_space<hbm>>
        %dma_wait3A_52 = arith.constant 0 : i32
        %dma_wait3A_53 = tpu.memref_slice %arg10[%mul3A_42, %dma_wait3A_52] : memref<10000x128xf32, #tpu.memory_space<vmem_shared>> -> memref<632x128xf32, #tpu.memory_space<vmem_shared>>
        tpu.wait_dma2 semaphore(%run_scoped3A : memref<!tpu.dma_semaphore, #tpu.memory_space<semaphore_mem>>) src(%dma_wait3A_53 : memref<632x128xf32, #tpu.memory_space<vmem_shared>>) dst(%dma_wait3A_51 : memref<632x128xf32, #tpu.memory_space<hbm>>)
        tpu.yield
      }) : () -> ()
    } else {
    }
    %eq3A_36 = arith.constant 15 : i32
    %eq3A_37 = arith.cmpi eq, %arg1, %eq3A_36 : i32
    %convert_element_type3A_38 = arith.extui %eq3A_37 : i1 to i32
    %cond3A_39 = arith.constant 0 : i32
    %cond3A_40 = arith.cmpi ne, %convert_element_type3A_38, %cond3A_39 : i32
    scf.if %cond3A_40 {
      "tpu.region"() ({
        %run_scoped3A = tpu.sem_alloc : memref<!tpu.dma_semaphore, #tpu.memory_space<semaphore_mem>>
        %dma_start3A_41 = arith.constant 9480 : i32
        %dma_start3A_42 = arith.constant 0 : i32
        %dma_start3A_43 = tpu.memref_slice %arg5[%arg0, %dma_start3A_41, %dma_start3A_42] : memref<2x10000x128xf32, #tpu.memory_space<hbm>> -> memref<1x520x128xf32, #tpu.memory_space<hbm>>
        %dma_start3A_44 = tpu.memref_squeeze %dma_start3A_43 : memref<1x520x128xf32, #tpu.memory_space<hbm>> -> memref<520x128xf32, #tpu.memory_space<hbm>>
        %dma_start3A_45 = arith.constant 9480 : i32
        %dma_start3A_46 = arith.constant 0 : i32
        %dma_start3A_47 = tpu.memref_slice %arg10[%dma_start3A_45, %dma_start3A_46] : memref<10000x128xf32, #tpu.memory_space<vmem_shared>> -> memref<520x128xf32, #tpu.memory_space<vmem_shared>>
        tpu.enqueue_dma source(%dma_start3A_47 : memref<520x128xf32, #tpu.memory_space<vmem_shared>>) target(%dma_start3A_44 : memref<520x128xf32, #tpu.memory_space<hbm>>) target_semaphore(%run_scoped3A : memref<!tpu.dma_semaphore, #tpu.memory_space<semaphore_mem>>)
        %dma_wait3A = arith.constant 9480 : i32
        %dma_wait3A_48 = arith.constant 0 : i32
        %dma_wait3A_49 = tpu.memref_slice %arg5[%arg0, %dma_wait3A, %dma_wait3A_48] : memref<2x10000x128xf32, #tpu.memory_space<hbm>> -> memref<1x520x128xf32, #tpu.memory_space<hbm>>
        %dma_wait3A_50 = tpu.memref_squeeze %dma_wait3A_49 : memref<1x520x128xf32, #tpu.memory_space<hbm>> -> memref<520x128xf32, #tpu.memory_space<hbm>>
        %dma_wait3A_51 = arith.constant 9480 : i32
        %dma_wait3A_52 = arith.constant 0 : i32
        %dma_wait3A_53 = tpu.memref_slice %arg10[%dma_wait3A_51, %dma_wait3A_52] : memref<10000x128xf32, #tpu.memory_space<vmem_shared>> -> memref<520x128xf32, #tpu.memory_space<vmem_shared>>
        tpu.wait_dma2 semaphore(%run_scoped3A : memref<!tpu.dma_semaphore, #tpu.memory_space<semaphore_mem>>) src(%dma_wait3A_53 : memref<520x128xf32, #tpu.memory_space<vmem_shared>>) dst(%dma_wait3A_50 : memref<520x128xf32, #tpu.memory_space<hbm>>)
        tpu.yield
      }) : () -> ()
    } else {
    }
    return
  }
}

#map = affine_map<(d0, d1) -> (0, 0, 0)>
#map1 = affine_map<(d0, d1) -> (0, 0)>
module attributes {stable_mosaic.version = 14 : i64} {
  func.func @_prop_kernel(%arg0: i32, %arg1: i32, %arg2: memref<2560x2x125xi32, #tpu.memory_space<hbm>>, %arg3: memref<10000x128xf32, #tpu.memory_space<hbm>>, %arg4: memref<632x128xf32, #tpu.memory_space<hbm>>, %arg5: memref<2x10000x128xf32, #tpu.memory_space<hbm>>, %arg6: memref<2x125xi32, #tpu.memory_space<vmem>>, %arg7: memref<2x125xi32, #tpu.memory_space<vmem>>, %arg8: memref<125x128xf32, #tpu.memory_space<vmem>>, %arg9: memref<125x128xf32, #tpu.memory_space<vmem>>, %arg10: memref<10000x128xf32, #tpu.memory_space<vmem_shared>>, %arg11: memref<!tpu.dma_semaphore, #tpu.memory_space<semaphore_mem>>, %arg12: memref<!tpu.dma_semaphore, #tpu.memory_space<semaphore_mem>>, %arg13: memref<!tpu.dma_semaphore, #tpu.memory_space<semaphore_mem>>, %arg14: memref<!tpu.dma_semaphore, #tpu.memory_space<semaphore_mem>>) attributes {dimension_semantics = [#tpu.dimension_semantics<core_parallel>, #tpu.dimension_semantics<subcore_parallel>], iteration_bounds = array<i64: 2, 16>, scalar_prefetch = 0 : i64, scratch_operands = 9 : i64, tpu.core_type = #tpu.core_type<sc_vector_subcore>, window_params = [{transform_indices = #map}, {transform_indices = #map1}, {transform_indices = #map1}, {transform_indices = #map}]} {
    %mul3A = arith.constant 16 : i32
    %mul3A_0 = arith.muli %arg0, %mul3A : i32
    %add3A = arith.addi %mul3A_0, %arg1 : i32
    %mul3A_1 = arith.constant 80 : i32
    %mul3A_2 = arith.muli %add3A, %mul3A_1 : i32
    %lt3A = arith.constant 15 : i32
    %lt3A_3 = arith.cmpi slt, %arg1, %lt3A : i32
    %convert_element_type3A = arith.extui %lt3A_3 : i1 to i32
    %cond3A = arith.constant 0 : i32
    %cond3A_4 = arith.cmpi ne, %convert_element_type3A, %cond3A : i32
    scf.if %cond3A_4 {
      %mul3A_41 = arith.constant 632 : i32
      %mul3A_42 = arith.muli %arg1, %mul3A_41 : i32
      "tpu.region"() ({
        %run_scoped3A = tpu.sem_alloc : memref<!tpu.dma_semaphore, #tpu.memory_space<semaphore_mem>>
        %dma_start3A_43 = arith.constant 0 : i32
        %dma_start3A_44 = tpu.memref_slice %arg10[%mul3A_42, %dma_start3A_43] : memref<10000x128xf32, #tpu.memory_space<vmem_shared>> -> memref<632x128xf32, #tpu.memory_space<vmem_shared>>
        tpu.enqueue_dma source(%arg4 : memref<632x128xf32, #tpu.memory_space<hbm>>) target(%dma_start3A_44 : memref<632x128xf32, #tpu.memory_space<vmem_shared>>) target_semaphore(%run_scoped3A : memref<!tpu.dma_semaphore, #tpu.memory_space<semaphore_mem>>)
        %dma_wait3A = arith.constant 0 : i32
        %dma_wait3A_45 = tpu.memref_slice %arg10[%mul3A_42, %dma_wait3A] : memref<10000x128xf32, #tpu.memory_space<vmem_shared>> -> memref<632x128xf32, #tpu.memory_space<vmem_shared>>
        tpu.wait_dma2 semaphore(%run_scoped3A : memref<!tpu.dma_semaphore, #tpu.memory_space<semaphore_mem>>) src(%arg4 : memref<632x128xf32, #tpu.memory_space<hbm>>) dst(%dma_wait3A_45 : memref<632x128xf32, #tpu.memory_space<vmem_shared>>)
        tpu.yield
      }) : () -> ()
    } else {
    }
    %eq3A = arith.constant 15 : i32
    %eq3A_5 = arith.cmpi eq, %arg1, %eq3A : i32
    %convert_element_type3A_6 = arith.extui %eq3A_5 : i1 to i32
    %cond3A_7 = arith.constant 0 : i32
    %cond3A_8 = arith.cmpi ne, %convert_element_type3A_6, %cond3A_7 : i32
    scf.if %cond3A_8 {
      "tpu.region"() ({
        %run_scoped3A = tpu.sem_alloc : memref<!tpu.dma_semaphore, #tpu.memory_space<semaphore_mem>>
        %dma_start3A_41 = arith.constant 9480 : i32
        %dma_start3A_42 = arith.constant 0 : i32
        %dma_start3A_43 = tpu.memref_slice %arg10[%dma_start3A_41, %dma_start3A_42] : memref<10000x128xf32, #tpu.memory_space<vmem_shared>> -> memref<520x128xf32, #tpu.memory_space<vmem_shared>>
        %dma_start3A_44 = arith.constant 0 : i32
        %dma_start3A_45 = arith.constant 0 : i32
        %dma_start3A_46 = tpu.memref_slice %arg4[%dma_start3A_44, %dma_start3A_45] : memref<632x128xf32, #tpu.memory_space<hbm>> -> memref<520x128xf32, #tpu.memory_space<hbm>>
        tpu.enqueue_dma source(%dma_start3A_46 : memref<520x128xf32, #tpu.memory_space<hbm>>) target(%dma_start3A_43 : memref<520x128xf32, #tpu.memory_space<vmem_shared>>) target_semaphore(%run_scoped3A : memref<!tpu.dma_semaphore, #tpu.memory_space<semaphore_mem>>)
        %dma_wait3A = arith.constant 9480 : i32
        %dma_wait3A_47 = arith.constant 0 : i32
        %dma_wait3A_48 = tpu.memref_slice %arg10[%dma_wait3A, %dma_wait3A_47] : memref<10000x128xf32, #tpu.memory_space<vmem_shared>> -> memref<520x128xf32, #tpu.memory_space<vmem_shared>>
        %dma_wait3A_49 = arith.constant 0 : i32
        %dma_wait3A_50 = arith.constant 0 : i32
        %dma_wait3A_51 = tpu.memref_slice %arg4[%dma_wait3A_49, %dma_wait3A_50] : memref<632x128xf32, #tpu.memory_space<hbm>> -> memref<520x128xf32, #tpu.memory_space<hbm>>
        tpu.wait_dma2 semaphore(%run_scoped3A : memref<!tpu.dma_semaphore, #tpu.memory_space<semaphore_mem>>) src(%dma_wait3A_51 : memref<520x128xf32, #tpu.memory_space<hbm>>) dst(%dma_wait3A_48 : memref<520x128xf32, #tpu.memory_space<vmem_shared>>)
        tpu.yield
      }) : () -> ()
    } else {
    }
    %barrier3A = arith.constant 0 : index
    tpu.barrier barrier_id(%barrier3A)
    "tpu.region"() ({
      %run_scoped3A = tpu.sem_alloc : memref<!tpu.dma_semaphore, #tpu.memory_space<semaphore_mem>>
      %dma_start3A_41 = arith.constant 0 : i32
      %dma_start3A_42 = arith.constant 0 : i32
      %dma_start3A_43 = tpu.memref_slice %arg2[%mul3A_2, %dma_start3A_41, %dma_start3A_42] : memref<2560x2x125xi32, #tpu.memory_space<hbm>> -> memref<1x2x125xi32, #tpu.memory_space<hbm>>
      %dma_start3A_44 = tpu.memref_squeeze %dma_start3A_43 : memref<1x2x125xi32, #tpu.memory_space<hbm>> -> memref<2x125xi32, #tpu.memory_space<hbm>>
      %dma_start3A_45 = arith.constant 0 : i32
      %dma_start3A_46 = arith.constant 0 : i32
      %dma_start3A_47 = tpu.memref_slice %arg2[%mul3A_2, %dma_start3A_45, %dma_start3A_46] : memref<2560x2x125xi32, #tpu.memory_space<hbm>> -> memref<1x2x125xi32, #tpu.memory_space<hbm>>
      %dma_start3A_48 = tpu.memref_squeeze %dma_start3A_47 : memref<1x2x125xi32, #tpu.memory_space<hbm>> -> memref<2x125xi32, #tpu.memory_space<hbm>>
      tpu.enqueue_dma source(%dma_start3A_48 : memref<2x125xi32, #tpu.memory_space<hbm>>) target(%arg6 : memref<2x125xi32, #tpu.memory_space<vmem>>) target_semaphore(%run_scoped3A : memref<!tpu.dma_semaphore, #tpu.memory_space<semaphore_mem>>)
      %dma_wait3A = arith.constant 0 : i32
      %dma_wait3A_49 = arith.constant 0 : i32
      %dma_wait3A_50 = tpu.memref_slice %arg2[%mul3A_2, %dma_wait3A, %dma_wait3A_49] : memref<2560x2x125xi32, #tpu.memory_space<hbm>> -> memref<1x2x125xi32, #tpu.memory_space<hbm>>
      %dma_wait3A_51 = tpu.memref_squeeze %dma_wait3A_50 : memref<1x2x125xi32, #tpu.memory_space<hbm>> -> memref<2x125xi32, #tpu.memory_space<hbm>>
      %dma_wait3A_52 = arith.constant 0 : i32
      %dma_wait3A_53 = arith.constant 0 : i32
      %dma_wait3A_54 = tpu.memref_slice %arg2[%mul3A_2, %dma_wait3A_52, %dma_wait3A_53] : memref<2560x2x125xi32, #tpu.memory_space<hbm>> -> memref<1x2x125xi32, #tpu.memory_space<hbm>>
      %dma_wait3A_55 = tpu.memref_squeeze %dma_wait3A_54 : memref<1x2x125xi32, #tpu.memory_space<hbm>> -> memref<2x125xi32, #tpu.memory_space<hbm>>
      tpu.wait_dma2 semaphore(%run_scoped3A : memref<!tpu.dma_semaphore, #tpu.memory_space<semaphore_mem>>) src(%dma_wait3A_55 : memref<2x125xi32, #tpu.memory_space<hbm>>) dst(%arg6 : memref<2x125xi32, #tpu.memory_space<vmem>>)
      tpu.yield
    }) : () -> ()
    %dma_start3A = arith.constant 0 : i32
    %dma_start3A_9 = arith.constant 0 : i32
    %dma_start3A_10 = tpu.memref_slice %arg6[%dma_start3A, %dma_start3A_9] : memref<2x125xi32, #tpu.memory_space<vmem>> -> memref<1x125xi32, #tpu.memory_space<vmem>>
    %dma_start3A_11 = tpu.memref_squeeze %dma_start3A_10 : memref<1x125xi32, #tpu.memory_space<vmem>> -> memref<125xi32, #tpu.memory_space<vmem>>
    %dma_start3A_12 = arith.constant 0 : i32
    %dma_start3A_13 = arith.constant 0 : i32
    %dma_start3A_14 = tpu.memref_slice %arg3[%dma_start3A_12, %dma_start3A_13] : memref<10000x128xf32, #tpu.memory_space<hbm>> -> memref<10000x128xf32, #tpu.memory_space<hbm>>
    tpu.enqueue_indirect_dma source(%dma_start3A_14 : memref<10000x128xf32, #tpu.memory_space<hbm>>) target(%arg8 : memref<125x128xf32, #tpu.memory_space<vmem>>) offsets(%dma_start3A_11 : memref<125xi32, #tpu.memory_space<vmem>>) semaphore(%arg13 : memref<!tpu.dma_semaphore, #tpu.memory_space<semaphore_mem>>)
    %add3A_15 = arith.constant 1 : i32
    %add3A_16 = arith.addi %mul3A_2, %add3A_15 : i32
    %dma_start3A_17 = arith.constant 0 : i32
    %dma_start3A_18 = arith.constant 0 : i32
    %dma_start3A_19 = tpu.memref_slice %arg2[%add3A_16, %dma_start3A_17, %dma_start3A_18] : memref<2560x2x125xi32, #tpu.memory_space<hbm>> -> memref<1x2x125xi32, #tpu.memory_space<hbm>>
    %dma_start3A_20 = tpu.memref_squeeze %dma_start3A_19 : memref<1x2x125xi32, #tpu.memory_space<hbm>> -> memref<2x125xi32, #tpu.memory_space<hbm>>
    %dma_start3A_21 = arith.constant 0 : i32
    %dma_start3A_22 = arith.constant 0 : i32
    %dma_start3A_23 = tpu.memref_slice %arg2[%add3A_16, %dma_start3A_21, %dma_start3A_22] : memref<2560x2x125xi32, #tpu.memory_space<hbm>> -> memref<1x2x125xi32, #tpu.memory_space<hbm>>
    %dma_start3A_24 = tpu.memref_squeeze %dma_start3A_23 : memref<1x2x125xi32, #tpu.memory_space<hbm>> -> memref<2x125xi32, #tpu.memory_space<hbm>>
    tpu.enqueue_dma source(%dma_start3A_24 : memref<2x125xi32, #tpu.memory_space<hbm>>) target(%arg7 : memref<2x125xi32, #tpu.memory_space<vmem>>) target_semaphore(%arg12 : memref<!tpu.dma_semaphore, #tpu.memory_space<semaphore_mem>>)
    %scan3A = arith.constant 0 : i32
    %scan3A_25 = arith.constant 0 : i32
    %scan3A_26 = arith.constant 40 : i32
    %scan3A_27 = arith.addi %scan3A_25, %scan3A_26 : i32
    %scan3A_28 = arith.constant 1 : i32
    scf.for %scan3A_41 = %scan3A_25 to %scan3A_27 step %scan3A_28  : i32 {
      %mul3A_42 = arith.constant 2 : i32
      %mul3A_43 = arith.muli %mul3A_42, %scan3A_41 : i32
      %mul3A_44 = arith.constant 2 : i32
      %mul3A_45 = arith.muli %mul3A_44, %scan3A_41 : i32
      %add3A_46 = arith.constant 1 : i32
      %add3A_47 = arith.addi %mul3A_45, %add3A_46 : i32
      %dma_wait3A = arith.constant 0 : i32
      %dma_wait3A_48 = arith.constant 0 : i32
      %dma_wait3A_49 = tpu.memref_slice %arg6[%dma_wait3A, %dma_wait3A_48] : memref<2x125xi32, #tpu.memory_space<vmem>> -> memref<1x125xi32, #tpu.memory_space<vmem>>
      %dma_wait3A_50 = tpu.memref_squeeze %dma_wait3A_49 : memref<1x125xi32, #tpu.memory_space<vmem>> -> memref<125xi32, #tpu.memory_space<vmem>>
      %dma_wait3A_51 = arith.constant 0 : i32
      %dma_wait3A_52 = arith.constant 0 : i32
      %dma_wait3A_53 = tpu.memref_slice %arg3[%dma_wait3A_51, %dma_wait3A_52] : memref<10000x128xf32, #tpu.memory_space<hbm>> -> memref<10000x128xf32, #tpu.memory_space<hbm>>
      tpu.wait_indirect_dma semaphore(%arg13 : memref<!tpu.dma_semaphore, #tpu.memory_space<semaphore_mem>>) src(%dma_wait3A_53 : memref<10000x128xf32, #tpu.memory_space<hbm>>) dst(%arg8 : memref<125x128xf32, #tpu.memory_space<vmem>>)
      %add3A_54 = arith.addi %mul3A_2, %add3A_47 : i32
      %dma_wait3A_55 = arith.constant 0 : i32
      %dma_wait3A_56 = arith.constant 0 : i32
      %dma_wait3A_57 = tpu.memref_slice %arg2[%add3A_54, %dma_wait3A_55, %dma_wait3A_56] : memref<2560x2x125xi32, #tpu.memory_space<hbm>> -> memref<1x2x125xi32, #tpu.memory_space<hbm>>
      %dma_wait3A_58 = tpu.memref_squeeze %dma_wait3A_57 : memref<1x2x125xi32, #tpu.memory_space<hbm>> -> memref<2x125xi32, #tpu.memory_space<hbm>>
      %dma_wait3A_59 = arith.constant 0 : i32
      %dma_wait3A_60 = arith.constant 0 : i32
      %dma_wait3A_61 = tpu.memref_slice %arg2[%add3A_54, %dma_wait3A_59, %dma_wait3A_60] : memref<2560x2x125xi32, #tpu.memory_space<hbm>> -> memref<1x2x125xi32, #tpu.memory_space<hbm>>
      %dma_wait3A_62 = tpu.memref_squeeze %dma_wait3A_61 : memref<1x2x125xi32, #tpu.memory_space<hbm>> -> memref<2x125xi32, #tpu.memory_space<hbm>>
      tpu.wait_dma2 semaphore(%arg12 : memref<!tpu.dma_semaphore, #tpu.memory_space<semaphore_mem>>) src(%dma_wait3A_62 : memref<2x125xi32, #tpu.memory_space<hbm>>) dst(%arg7 : memref<2x125xi32, #tpu.memory_space<vmem>>)
      %dma_start3A_63 = arith.constant 0 : i32
      %dma_start3A_64 = arith.constant 0 : i32
      %dma_start3A_65 = tpu.memref_slice %arg7[%dma_start3A_63, %dma_start3A_64] : memref<2x125xi32, #tpu.memory_space<vmem>> -> memref<1x125xi32, #tpu.memory_space<vmem>>
      %dma_start3A_66 = tpu.memref_squeeze %dma_start3A_65 : memref<1x125xi32, #tpu.memory_space<vmem>> -> memref<125xi32, #tpu.memory_space<vmem>>
      %dma_start3A_67 = arith.constant 0 : i32
      %dma_start3A_68 = arith.constant 0 : i32
      %dma_start3A_69 = tpu.memref_slice %arg3[%dma_start3A_67, %dma_start3A_68] : memref<10000x128xf32, #tpu.memory_space<hbm>> -> memref<10000x128xf32, #tpu.memory_space<hbm>>
      tpu.enqueue_indirect_dma source(%dma_start3A_69 : memref<10000x128xf32, #tpu.memory_space<hbm>>) target(%arg9 : memref<125x128xf32, #tpu.memory_space<vmem>>) offsets(%dma_start3A_66 : memref<125xi32, #tpu.memory_space<vmem>>) semaphore(%arg14 : memref<!tpu.dma_semaphore, #tpu.memory_space<semaphore_mem>>)
      %run_scoped3A = arith.constant 1 : i32
      "tpu.region"() ({
        %run_scoped3A_99 = tpu.sem_alloc : memref<!tpu.dma_semaphore, #tpu.memory_space<semaphore_mem>>
        %dma_start3A_100 = arith.constant 0 : i32
        %dma_start3A_101 = tpu.memref_slice %arg6[%run_scoped3A, %dma_start3A_100] : memref<2x125xi32, #tpu.memory_space<vmem>> -> memref<1x125xi32, #tpu.memory_space<vmem>>
        %dma_start3A_102 = tpu.memref_squeeze %dma_start3A_101 : memref<1x125xi32, #tpu.memory_space<vmem>> -> memref<125xi32, #tpu.memory_space<vmem>>
        %dma_start3A_103 = arith.constant 0 : i32
        %dma_start3A_104 = arith.constant 0 : i32
        %dma_start3A_105 = tpu.memref_slice %arg10[%dma_start3A_103, %dma_start3A_104] : memref<10000x128xf32, #tpu.memory_space<vmem_shared>> -> memref<10000x128xf32, #tpu.memory_space<vmem_shared>>
        tpu.enqueue_indirect_dma source(%arg8 : memref<125x128xf32, #tpu.memory_space<vmem>>) target(%dma_start3A_105 : memref<10000x128xf32, #tpu.memory_space<vmem_shared>>) offsets(%dma_start3A_102 : memref<125xi32, #tpu.memory_space<vmem>>) semaphore(%run_scoped3A_99 : memref<!tpu.dma_semaphore, #tpu.memory_space<semaphore_mem>>) {add = true}
        %dma_wait3A_106 = arith.constant 0 : i32
        %dma_wait3A_107 = tpu.memref_slice %arg6[%run_scoped3A, %dma_wait3A_106] : memref<2x125xi32, #tpu.memory_space<vmem>> -> memref<1x125xi32, #tpu.memory_space<vmem>>
        %dma_wait3A_108 = tpu.memref_squeeze %dma_wait3A_107 : memref<1x125xi32, #tpu.memory_space<vmem>> -> memref<125xi32, #tpu.memory_space<vmem>>
        %dma_wait3A_109 = arith.constant 0 : i32
        %dma_wait3A_110 = arith.constant 0 : i32
        %dma_wait3A_111 = tpu.memref_slice %arg10[%dma_wait3A_109, %dma_wait3A_110] : memref<10000x128xf32, #tpu.memory_space<vmem_shared>> -> memref<10000x128xf32, #tpu.memory_space<vmem_shared>>
        tpu.wait_indirect_dma semaphore(%run_scoped3A_99 : memref<!tpu.dma_semaphore, #tpu.memory_space<semaphore_mem>>) src(%arg8 : memref<125x128xf32, #tpu.memory_space<vmem>>) dst(%dma_wait3A_111 : memref<10000x128xf32, #tpu.memory_space<vmem_shared>>)
        tpu.yield
      }) : () -> ()
      %add3A_70 = arith.constant 2 : i32
      %add3A_71 = arith.addi %mul3A_43, %add3A_70 : i32
      %lt3A_72 = arith.constant 80 : i32
      %lt3A_73 = arith.cmpi slt, %add3A_71, %lt3A_72 : i32
      %convert_element_type3A_74 = arith.extui %lt3A_73 : i1 to i32
      %cond3A_75 = arith.constant 0 : i32
      %cond3A_76 = arith.cmpi ne, %convert_element_type3A_74, %cond3A_75 : i32
      scf.if %cond3A_76 {
        %add3A_99 = arith.addi %mul3A_2, %mul3A_43 : i32
        %add3A_100 = arith.constant 2 : i32
        %add3A_101 = arith.addi %add3A_99, %add3A_100 : i32
        %dma_start3A_102 = arith.constant 0 : i32
        %dma_start3A_103 = arith.constant 0 : i32
        %dma_start3A_104 = tpu.memref_slice %arg2[%add3A_101, %dma_start3A_102, %dma_start3A_103] : memref<2560x2x125xi32, #tpu.memory_space<hbm>> -> memref<1x2x125xi32, #tpu.memory_space<hbm>>
        %dma_start3A_105 = tpu.memref_squeeze %dma_start3A_104 : memref<1x2x125xi32, #tpu.memory_space<hbm>> -> memref<2x125xi32, #tpu.memory_space<hbm>>
        %dma_start3A_106 = arith.constant 0 : i32
        %dma_start3A_107 = arith.constant 0 : i32
        %dma_start3A_108 = tpu.memref_slice %arg2[%add3A_101, %dma_start3A_106, %dma_start3A_107] : memref<2560x2x125xi32, #tpu.memory_space<hbm>> -> memref<1x2x125xi32, #tpu.memory_space<hbm>>
        %dma_start3A_109 = tpu.memref_squeeze %dma_start3A_108 : memref<1x2x125xi32, #tpu.memory_space<hbm>> -> memref<2x125xi32, #tpu.memory_space<hbm>>
        tpu.enqueue_dma source(%dma_start3A_109 : memref<2x125xi32, #tpu.memory_space<hbm>>) target(%arg6 : memref<2x125xi32, #tpu.memory_space<vmem>>) target_semaphore(%arg11 : memref<!tpu.dma_semaphore, #tpu.memory_space<semaphore_mem>>)
      } else {
      }
      %dma_wait3A_77 = arith.constant 0 : i32
      %dma_wait3A_78 = arith.constant 0 : i32
      %dma_wait3A_79 = tpu.memref_slice %arg7[%dma_wait3A_77, %dma_wait3A_78] : memref<2x125xi32, #tpu.memory_space<vmem>> -> memref<1x125xi32, #tpu.memory_space<vmem>>
      %dma_wait3A_80 = tpu.memref_squeeze %dma_wait3A_79 : memref<1x125xi32, #tpu.memory_space<vmem>> -> memref<125xi32, #tpu.memory_space<vmem>>
      %dma_wait3A_81 = arith.constant 0 : i32
      %dma_wait3A_82 = arith.constant 0 : i32
      %dma_wait3A_83 = tpu.memref_slice %arg3[%dma_wait3A_81, %dma_wait3A_82] : memref<10000x128xf32, #tpu.memory_space<hbm>> -> memref<10000x128xf32, #tpu.memory_space<hbm>>
      tpu.wait_indirect_dma semaphore(%arg14 : memref<!tpu.dma_semaphore, #tpu.memory_space<semaphore_mem>>) src(%dma_wait3A_83 : memref<10000x128xf32, #tpu.memory_space<hbm>>) dst(%arg9 : memref<125x128xf32, #tpu.memory_space<vmem>>)
      %add3A_84 = arith.constant 2 : i32
      %add3A_85 = arith.addi %mul3A_43, %add3A_84 : i32
      %lt3A_86 = arith.constant 80 : i32
      %lt3A_87 = arith.cmpi slt, %add3A_85, %lt3A_86 : i32
      %convert_element_type3A_88 = arith.extui %lt3A_87 : i1 to i32
      %cond3A_89 = arith.constant 0 : i32
      %cond3A_90 = arith.cmpi ne, %convert_element_type3A_88, %cond3A_89 : i32
      scf.if %cond3A_90 {
        %add3A_99 = arith.addi %mul3A_2, %mul3A_43 : i32
        %add3A_100 = arith.constant 2 : i32
        %add3A_101 = arith.addi %add3A_99, %add3A_100 : i32
        %dma_wait3A_102 = arith.constant 0 : i32
        %dma_wait3A_103 = arith.constant 0 : i32
        %dma_wait3A_104 = tpu.memref_slice %arg2[%add3A_101, %dma_wait3A_102, %dma_wait3A_103] : memref<2560x2x125xi32, #tpu.memory_space<hbm>> -> memref<1x2x125xi32, #tpu.memory_space<hbm>>
        %dma_wait3A_105 = tpu.memref_squeeze %dma_wait3A_104 : memref<1x2x125xi32, #tpu.memory_space<hbm>> -> memref<2x125xi32, #tpu.memory_space<hbm>>
        %dma_wait3A_106 = arith.constant 0 : i32
        %dma_wait3A_107 = arith.constant 0 : i32
        %dma_wait3A_108 = tpu.memref_slice %arg2[%add3A_101, %dma_wait3A_106, %dma_wait3A_107] : memref<2560x2x125xi32, #tpu.memory_space<hbm>> -> memref<1x2x125xi32, #tpu.memory_space<hbm>>
        %dma_wait3A_109 = tpu.memref_squeeze %dma_wait3A_108 : memref<1x2x125xi32, #tpu.memory_space<hbm>> -> memref<2x125xi32, #tpu.memory_space<hbm>>
        tpu.wait_dma2 semaphore(%arg11 : memref<!tpu.dma_semaphore, #tpu.memory_space<semaphore_mem>>) src(%dma_wait3A_109 : memref<2x125xi32, #tpu.memory_space<hbm>>) dst(%arg6 : memref<2x125xi32, #tpu.memory_space<vmem>>)
        %dma_start3A_110 = arith.constant 0 : i32
        %dma_start3A_111 = arith.constant 0 : i32
        %dma_start3A_112 = tpu.memref_slice %arg6[%dma_start3A_110, %dma_start3A_111] : memref<2x125xi32, #tpu.memory_space<vmem>> -> memref<1x125xi32, #tpu.memory_space<vmem>>
        %dma_start3A_113 = tpu.memref_squeeze %dma_start3A_112 : memref<1x125xi32, #tpu.memory_space<vmem>> -> memref<125xi32, #tpu.memory_space<vmem>>
        %dma_start3A_114 = arith.constant 0 : i32
        %dma_start3A_115 = arith.constant 0 : i32
        %dma_start3A_116 = tpu.memref_slice %arg3[%dma_start3A_114, %dma_start3A_115] : memref<10000x128xf32, #tpu.memory_space<hbm>> -> memref<10000x128xf32, #tpu.memory_space<hbm>>
        tpu.enqueue_indirect_dma source(%dma_start3A_116 : memref<10000x128xf32, #tpu.memory_space<hbm>>) target(%arg8 : memref<125x128xf32, #tpu.memory_space<vmem>>) offsets(%dma_start3A_113 : memref<125xi32, #tpu.memory_space<vmem>>) semaphore(%arg13 : memref<!tpu.dma_semaphore, #tpu.memory_space<semaphore_mem>>)
      } else {
      }
      %run_scoped3A_91 = arith.constant 1 : i32
      "tpu.region"() ({
        %run_scoped3A_99 = tpu.sem_alloc : memref<!tpu.dma_semaphore, #tpu.memory_space<semaphore_mem>>
        %dma_start3A_100 = arith.constant 0 : i32
        %dma_start3A_101 = tpu.memref_slice %arg7[%run_scoped3A_91, %dma_start3A_100] : memref<2x125xi32, #tpu.memory_space<vmem>> -> memref<1x125xi32, #tpu.memory_space<vmem>>
        %dma_start3A_102 = tpu.memref_squeeze %dma_start3A_101 : memref<1x125xi32, #tpu.memory_space<vmem>> -> memref<125xi32, #tpu.memory_space<vmem>>
        %dma_start3A_103 = arith.constant 0 : i32
        %dma_start3A_104 = arith.constant 0 : i32
        %dma_start3A_105 = tpu.memref_slice %arg10[%dma_start3A_103, %dma_start3A_104] : memref<10000x128xf32, #tpu.memory_space<vmem_shared>> -> memref<10000x128xf32, #tpu.memory_space<vmem_shared>>
        tpu.enqueue_indirect_dma source(%arg9 : memref<125x128xf32, #tpu.memory_space<vmem>>) target(%dma_start3A_105 : memref<10000x128xf32, #tpu.memory_space<vmem_shared>>) offsets(%dma_start3A_102 : memref<125xi32, #tpu.memory_space<vmem>>) semaphore(%run_scoped3A_99 : memref<!tpu.dma_semaphore, #tpu.memory_space<semaphore_mem>>) {add = true}
        %dma_wait3A_106 = arith.constant 0 : i32
        %dma_wait3A_107 = tpu.memref_slice %arg7[%run_scoped3A_91, %dma_wait3A_106] : memref<2x125xi32, #tpu.memory_space<vmem>> -> memref<1x125xi32, #tpu.memory_space<vmem>>
        %dma_wait3A_108 = tpu.memref_squeeze %dma_wait3A_107 : memref<1x125xi32, #tpu.memory_space<vmem>> -> memref<125xi32, #tpu.memory_space<vmem>>
        %dma_wait3A_109 = arith.constant 0 : i32
        %dma_wait3A_110 = arith.constant 0 : i32
        %dma_wait3A_111 = tpu.memref_slice %arg10[%dma_wait3A_109, %dma_wait3A_110] : memref<10000x128xf32, #tpu.memory_space<vmem_shared>> -> memref<10000x128xf32, #tpu.memory_space<vmem_shared>>
        tpu.wait_indirect_dma semaphore(%run_scoped3A_99 : memref<!tpu.dma_semaphore, #tpu.memory_space<semaphore_mem>>) src(%arg9 : memref<125x128xf32, #tpu.memory_space<vmem>>) dst(%dma_wait3A_111 : memref<10000x128xf32, #tpu.memory_space<vmem_shared>>)
        tpu.yield
      }) : () -> ()
      %add3A_92 = arith.constant 2 : i32
      %add3A_93 = arith.addi %add3A_47, %add3A_92 : i32
      %lt3A_94 = arith.constant 80 : i32
      %lt3A_95 = arith.cmpi slt, %add3A_93, %lt3A_94 : i32
      %convert_element_type3A_96 = arith.extui %lt3A_95 : i1 to i32
      %cond3A_97 = arith.constant 0 : i32
      %cond3A_98 = arith.cmpi ne, %convert_element_type3A_96, %cond3A_97 : i32
      scf.if %cond3A_98 {
        %add3A_99 = arith.addi %mul3A_2, %add3A_47 : i32
        %add3A_100 = arith.constant 2 : i32
        %add3A_101 = arith.addi %add3A_99, %add3A_100 : i32
        %dma_start3A_102 = arith.constant 0 : i32
        %dma_start3A_103 = arith.constant 0 : i32
        %dma_start3A_104 = tpu.memref_slice %arg2[%add3A_101, %dma_start3A_102, %dma_start3A_103] : memref<2560x2x125xi32, #tpu.memory_space<hbm>> -> memref<1x2x125xi32, #tpu.memory_space<hbm>>
        %dma_start3A_105 = tpu.memref_squeeze %dma_start3A_104 : memref<1x2x125xi32, #tpu.memory_space<hbm>> -> memref<2x125xi32, #tpu.memory_space<hbm>>
        %dma_start3A_106 = arith.constant 0 : i32
        %dma_start3A_107 = arith.constant 0 : i32
        %dma_start3A_108 = tpu.memref_slice %arg2[%add3A_101, %dma_start3A_106, %dma_start3A_107] : memref<2560x2x125xi32, #tpu.memory_space<hbm>> -> memref<1x2x125xi32, #tpu.memory_space<hbm>>
        %dma_start3A_109 = tpu.memref_squeeze %dma_start3A_108 : memref<1x2x125xi32, #tpu.memory_space<hbm>> -> memref<2x125xi32, #tpu.memory_space<hbm>>
        tpu.enqueue_dma source(%dma_start3A_109 : memref<2x125xi32, #tpu.memory_space<hbm>>) target(%arg7 : memref<2x125xi32, #tpu.memory_space<vmem>>) target_semaphore(%arg12 : memref<!tpu.dma_semaphore, #tpu.memory_space<semaphore_mem>>)
      } else {
      }
    }
    %scan3A_29 = arith.constant 40 : i32
    %barrier3A_30 = arith.constant 0 : index
    tpu.barrier barrier_id(%barrier3A_30)
    %lt3A_31 = arith.constant 15 : i32
    %lt3A_32 = arith.cmpi slt, %arg1, %lt3A_31 : i32
    %convert_element_type3A_33 = arith.extui %lt3A_32 : i1 to i32
    %cond3A_34 = arith.constant 0 : i32
    %cond3A_35 = arith.cmpi ne, %convert_element_type3A_33, %cond3A_34 : i32
    scf.if %cond3A_35 {
      %mul3A_41 = arith.constant 632 : i32
      %mul3A_42 = arith.muli %arg1, %mul3A_41 : i32
      %mul3A_43 = arith.constant 632 : i32
      %mul3A_44 = arith.muli %arg1, %mul3A_43 : i32
      "tpu.region"() ({
        %run_scoped3A = tpu.sem_alloc : memref<!tpu.dma_semaphore, #tpu.memory_space<semaphore_mem>>
        %dma_start3A_45 = arith.constant 0 : i32
        %dma_start3A_46 = tpu.memref_slice %arg5[%arg0, %mul3A_44, %dma_start3A_45] : memref<2x10000x128xf32, #tpu.memory_space<hbm>> -> memref<1x632x128xf32, #tpu.memory_space<hbm>>
        %dma_start3A_47 = tpu.memref_squeeze %dma_start3A_46 : memref<1x632x128xf32, #tpu.memory_space<hbm>> -> memref<632x128xf32, #tpu.memory_space<hbm>>
        %dma_start3A_48 = arith.constant 0 : i32
        %dma_start3A_49 = tpu.memref_slice %arg10[%mul3A_42, %dma_start3A_48] : memref<10000x128xf32, #tpu.memory_space<vmem_shared>> -> memref<632x128xf32, #tpu.memory_space<vmem_shared>>
        tpu.enqueue_dma source(%dma_start3A_49 : memref<632x128xf32, #tpu.memory_space<vmem_shared>>) target(%dma_start3A_47 : memref<632x128xf32, #tpu.memory_space<hbm>>) target_semaphore(%run_scoped3A : memref<!tpu.dma_semaphore, #tpu.memory_space<semaphore_mem>>)
        %dma_wait3A = arith.constant 0 : i32
        %dma_wait3A_50 = tpu.memref_slice %arg5[%arg0, %mul3A_44, %dma_wait3A] : memref<2x10000x128xf32, #tpu.memory_space<hbm>> -> memref<1x632x128xf32, #tpu.memory_space<hbm>>
        %dma_wait3A_51 = tpu.memref_squeeze %dma_wait3A_50 : memref<1x632x128xf32, #tpu.memory_space<hbm>> -> memref<632x128xf32, #tpu.memory_space<hbm>>
        %dma_wait3A_52 = arith.constant 0 : i32
        %dma_wait3A_53 = tpu.memref_slice %arg10[%mul3A_42, %dma_wait3A_52] : memref<10000x128xf32, #tpu.memory_space<vmem_shared>> -> memref<632x128xf32, #tpu.memory_space<vmem_shared>>
        tpu.wait_dma2 semaphore(%run_scoped3A : memref<!tpu.dma_semaphore, #tpu.memory_space<semaphore_mem>>) src(%dma_wait3A_53 : memref<632x128xf32, #tpu.memory_space<vmem_shared>>) dst(%dma_wait3A_51 : memref<632x128xf32, #tpu.memory_space<hbm>>)
        tpu.yield
      }) : () -> ()
    } else {
    }
    %eq3A_36 = arith.constant 15 : i32
    %eq3A_37 = arith.cmpi eq, %arg1, %eq3A_36 : i32
    %convert_element_type3A_38 = arith.extui %eq3A_37 : i1 to i32
    %cond3A_39 = arith.constant 0 : i32
    %cond3A_40 = arith.cmpi ne, %convert_element_type3A_38, %cond3A_39 : i32
    scf.if %cond3A_40 {
      "tpu.region"() ({
        %run_scoped3A = tpu.sem_alloc : memref<!tpu.dma_semaphore, #tpu.memory_space<semaphore_mem>>
        %dma_start3A_41 = arith.constant 9480 : i32
        %dma_start3A_42 = arith.constant 0 : i32
        %dma_start3A_43 = tpu.memref_slice %arg5[%arg0, %dma_start3A_41, %dma_start3A_42] : memref<2x10000x128xf32, #tpu.memory_space<hbm>> -> memref<1x520x128xf32, #tpu.memory_space<hbm>>
        %dma_start3A_44 = tpu.memref_squeeze %dma_start3A_43 : memref<1x520x128xf32, #tpu.memory_space<hbm>> -> memref<520x128xf32, #tpu.memory_space<hbm>>
        %dma_start3A_45 = arith.constant 9480 : i32
        %dma_start3A_46 = arith.constant 0 : i32
        %dma_start3A_47 = tpu.memref_slice %arg10[%dma_start3A_45, %dma_start3A_46] : memref<10000x128xf32, #tpu.memory_space<vmem_shared>> -> memref<520x128xf32, #tpu.memory_space<vmem_shared>>
        tpu.enqueue_dma source(%dma_start3A_47 : memref<520x128xf32, #tpu.memory_space<vmem_shared>>) target(%dma_start3A_44 : memref<520x128xf32, #tpu.memory_space<hbm>>) target_semaphore(%run_scoped3A : memref<!tpu.dma_semaphore, #tpu.memory_space<semaphore_mem>>)
        %dma_wait3A = arith.constant 9480 : i32
        %dma_wait3A_48 = arith.constant 0 : i32
        %dma_wait3A_49 = tpu.memref_slice %arg5[%arg0, %dma_wait3A, %dma_wait3A_48] : memref<2x10000x128xf32, #tpu.memory_space<hbm>> -> memref<1x520x128xf32, #tpu.memory_space<hbm>>
        %dma_wait3A_50 = tpu.memref_squeeze %dma_wait3A_49 : memref<1x520x128xf32, #tpu.memory_space<hbm>> -> memref<520x128xf32, #tpu.memory_space<hbm>>
        %dma_wait3A_51 = arith.constant 9480 : i32
        %dma_wait3A_52 = arith.constant 0 : i32
        %dma_wait3A_53 = tpu.memref_slice %arg10[%dma_wait3A_51, %dma_wait3A_52] : memref<10000x128xf32, #tpu.memory_space<vmem_shared>> -> memref<520x128xf32, #tpu.memory_space<vmem_shared>>
        tpu.wait_dma2 semaphore(%run_scoped3A : memref<!tpu.dma_semaphore, #tpu.memory_space<semaphore_mem>>) src(%dma_wait3A_53 : memref<520x128xf32, #tpu.memory_space<vmem_shared>>) dst(%dma_wait3A_50 : memref<520x128xf32, #tpu.memory_space<hbm>>)
        tpu.yield
      }) : () -> ()
    } else {
    }
    return
  }
}

module attributes {stable_mosaic.version = 14 : i64} {
  func.func @_prep_body(%arg0: i32, %arg1: memref<2x1000x8xf32, #tpu.memory_space<vmem>>, %arg2: memref<1000x128xf32, #tpu.memory_space<vmem>>, %arg3: memref<1000x128xf32, #tpu.memory_space<vmem>>, %arg4: memref<1000x1xf32, #tpu.memory_space<vmem>>) attributes {dimension_semantics = [#tpu.dimension_semantics<arbitrary>], iteration_bounds = array<i64: 10>, scalar_prefetch = 0 : i64, scratch_operands = 0 : i64, tpu.core_type = #tpu.core_type<tc>, window_params = [{transform_indices = @transform_0, window_bounds = array<i64: 2, 1000, 8>}, {transform_indices = @transform_1, window_bounds = array<i64: 1000, 128>}, {transform_indices = @transform_2, window_bounds = array<i64: 1000, 128>}, {transform_indices = @transform_3, window_bounds = array<i64: 1000, 1>}]} {
    %get3A = arith.constant 0 : index
    %get3A_0 = arith.constant 0 : index
    %get3A_1 = arith.constant 0 : index
    %get3A_2 = vector.load %arg1[%get3A, %get3A_0, %get3A_1] : memref<2x1000x8xf32, #tpu.memory_space<vmem>>, vector<1x1000x1xf32>
    %get3A_3 = vector.shape_cast %get3A_2 : vector<1x1000x1xf32> to vector<1000x1xf32>
    %get3A_4 = arith.constant 1 : index
    %get3A_5 = arith.constant 0 : index
    %get3A_6 = arith.constant 0 : index
    %get3A_7 = vector.load %arg1[%get3A_4, %get3A_5, %get3A_6] : memref<2x1000x8xf32, #tpu.memory_space<vmem>>, vector<1x1000x1xf32>
    %get3A_8 = vector.shape_cast %get3A_7 : vector<1x1000x1xf32> to vector<1000x1xf32>
    %add3A = arith.addf %get3A_3, %get3A_8 : vector<1000x1xf32>
    %add3A_9 = arith.constant 1.000000e+00 : f32
    %add3A_10 = vector.broadcast %add3A_9 : f32 to vector<1000x1xf32>
    %add3A_11 = arith.addf %add3A, %add3A_10 : vector<1000x1xf32>
    %rsqrt3A = math.rsqrt %add3A_11 : vector<1000x1xf32>
    %swap3A = arith.constant 0 : index
    %swap3A_12 = arith.constant 0 : index
    %swap3A_13 = vector.load %arg4[%swap3A, %swap3A_12] : memref<1000x1xf32, #tpu.memory_space<vmem>>, vector<1000x1xf32>
    tpu.vector_store %arg4[%swap3A, %swap3A_12], %rsqrt3A {strides = array<i32>} : memref<1000x1xf32, #tpu.memory_space<vmem>>, vector<1000x1xf32>,
    %get3A_14 = arith.constant 0 : index
    %get3A_15 = arith.constant 0 : index
    %get3A_16 = vector.load %arg2[%get3A_14, %get3A_15] : memref<1000x128xf32, #tpu.memory_space<vmem>>, vector<1000x128xf32>
    %mul3A = vector.broadcast %rsqrt3A : vector<1000x1xf32> to vector<1000x128xf32>
    %mul3A_17 = arith.mulf %get3A_16, %mul3A : vector<1000x128xf32>
    %swap3A_18 = arith.constant 0 : index
    %swap3A_19 = arith.constant 0 : index
    %swap3A_20 = vector.load %arg3[%swap3A_18, %swap3A_19] : memref<1000x128xf32, #tpu.memory_space<vmem>>, vector<1000x128xf32>
    tpu.vector_store %arg3[%swap3A_18, %swap3A_19], %mul3A_17 {strides = array<i32>} : memref<1000x128xf32, #tpu.memory_space<vmem>>, vector<1000x128xf32>,
    return
  }
  func.func @transform_0(%arg0: i32) -> (i32, i32, i32) {
    %c0_i32 = arith.constant 0 : i32
    %c0_i32_0 = arith.constant 0 : i32
    %c0_i32_1 = arith.constant 0 : i32
    return %c0_i32, %arg0, %c0_i32_0 : i32, i32, i32
  }
  func.func @transform_1(%arg0: i32) -> (i32, i32) {
    %c0_i32 = arith.constant 0 : i32
    %c0_i32_0 = arith.constant 0 : i32
    return %arg0, %c0_i32 : i32, i32
  }
  func.func @transform_2(%arg0: i32) -> (i32, i32) {
    %c0_i32 = arith.constant 0 : i32
    %c0_i32_0 = arith.constant 0 : i32
    return %arg0, %c0_i32 : i32, i32
  }
  func.func @transform_3(%arg0: i32) -> (i32, i32) {
    %c0_i32 = arith.constant 0 : i32
    %c0_i32_0 = arith.constant 0 : i32
    return %arg0, %c0_i32 : i32, i32
  }
}

module attributes {stable_mosaic.version = 14 : i64} {
  func.func @_mid_body(%arg0: i32, %arg1: memref<2x1000x128xf32, #tpu.memory_space<vmem>>, %arg2: memref<1000x1xf32, #tpu.memory_space<vmem>>, %arg3: memref<128x160xf32, #tpu.memory_space<vmem>>, %arg4: memref<160x128xf32, #tpu.memory_space<vmem>>, %arg5: memref<1000x128xf32, #tpu.memory_space<vmem>>) attributes {dimension_semantics = [#tpu.dimension_semantics<arbitrary>], iteration_bounds = array<i64: 10>, scalar_prefetch = 0 : i64, scratch_operands = 0 : i64, tpu.core_type = #tpu.core_type<tc>, window_params = [{transform_indices = @transform_0, window_bounds = array<i64: 2, 1000, 128>}, {transform_indices = @transform_1, window_bounds = array<i64: 1000, 1>}, {pipeline_mode = #tpu.pipeline_mode<synchronous>, transform_indices = @transform_2, window_bounds = array<i64: 128, 160>}, {pipeline_mode = #tpu.pipeline_mode<synchronous>, transform_indices = @transform_3, window_bounds = array<i64: 160, 128>}, {transform_indices = @transform_4, window_bounds = array<i64: 1000, 128>}]} {
    %get3A = arith.constant 0 : index
    %get3A_0 = arith.constant 0 : index
    %get3A_1 = vector.load %arg2[%get3A, %get3A_0] : memref<1000x1xf32, #tpu.memory_space<vmem>>, vector<1000x1xf32>
    %get3A_2 = arith.constant 0 : index
    %get3A_3 = arith.constant 0 : index
    %get3A_4 = arith.constant 0 : index
    %get3A_5 = vector.load %arg1[%get3A_2, %get3A_3, %get3A_4] : memref<2x1000x128xf32, #tpu.memory_space<vmem>>, vector<1x1000x128xf32>
    %get3A_6 = vector.shape_cast %get3A_5 : vector<1x1000x128xf32> to vector<1000x128xf32>
    %get3A_7 = arith.constant 1 : index
    %get3A_8 = arith.constant 0 : index
    %get3A_9 = arith.constant 0 : index
    %get3A_10 = vector.load %arg1[%get3A_7, %get3A_8, %get3A_9] : memref<2x1000x128xf32, #tpu.memory_space<vmem>>, vector<1x1000x128xf32>
    %get3A_11 = vector.shape_cast %get3A_10 : vector<1x1000x128xf32> to vector<1000x128xf32>
    %add3A = arith.addf %get3A_6, %get3A_11 : vector<1000x128xf32>
    %mul3A = vector.broadcast %get3A_1 : vector<1000x1xf32> to vector<1000x128xf32>
    %mul3A_12 = arith.mulf %add3A, %mul3A : vector<1000x128xf32>
    %get3A_13 = arith.constant 0 : index
    %get3A_14 = arith.constant 0 : index
    %get3A_15 = vector.load %arg3[%get3A_13, %get3A_14] : memref<128x160xf32, #tpu.memory_space<vmem>>, vector<128x160xf32>
    %dot_general3A = arith.constant dense<0.000000e+00> : vector<1000x160xf32>
    %dot_general3A_16 = tpu.matmul %mul3A_12, %get3A_15, %dot_general3A {dimension_numbers = #tpu.dot_dimension_numbers<[1], [0], [0], [1], [0, 0, 1, 1], [], []>, transpose_lhs_hint = false} : vector<1000x128xf32>, vector<128x160xf32>, vector<1000x160xf32> -> vector<1000x160xf32>
    %max3A = arith.constant 0.000000e+00 : f32
    %max3A_17 = vector.broadcast %max3A : f32 to vector<1000x160xf32>
    %max3A_18 = arith.maximumf %dot_general3A_16, %max3A_17 : vector<1000x160xf32>
    %get3A_19 = arith.constant 0 : index
    %get3A_20 = arith.constant 0 : index
    %get3A_21 = vector.load %arg4[%get3A_19, %get3A_20] : memref<160x128xf32, #tpu.memory_space<vmem>>, vector<160x128xf32>
    %dot_general3A_22 = arith.constant dense<0.000000e+00> : vector<1000x128xf32>
    %dot_general3A_23 = tpu.matmul %max3A_18, %get3A_21, %dot_general3A_22 {dimension_numbers = #tpu.dot_dimension_numbers<[1], [0], [0], [1], [0, 0, 1, 1], [], []>, transpose_lhs_hint = false} : vector<1000x160xf32>, vector<160x128xf32>, vector<1000x128xf32> -> vector<1000x128xf32>
    %mul3A_24 = vector.broadcast %get3A_1 : vector<1000x1xf32> to vector<1000x128xf32>
    %mul3A_25 = arith.mulf %dot_general3A_23, %mul3A_24 : vector<1000x128xf32>
    %swap3A = arith.constant 0 : index
    %swap3A_26 = arith.constant 0 : index
    %swap3A_27 = vector.load %arg5[%swap3A, %swap3A_26] : memref<1000x128xf32, #tpu.memory_space<vmem>>, vector<1000x128xf32>
    tpu.vector_store %arg5[%swap3A, %swap3A_26], %mul3A_25 {strides = array<i32>} : memref<1000x128xf32, #tpu.memory_space<vmem>>, vector<1000x128xf32>,
    return
  }
  func.func @transform_0(%arg0: i32) -> (i32, i32, i32) {
    %c0_i32 = arith.constant 0 : i32
    %c0_i32_0 = arith.constant 0 : i32
    %c0_i32_1 = arith.constant 0 : i32
    return %c0_i32, %arg0, %c0_i32_0 : i32, i32, i32
  }
  func.func @transform_1(%arg0: i32) -> (i32, i32) {
    %c0_i32 = arith.constant 0 : i32
    %c0_i32_0 = arith.constant 0 : i32
    return %arg0, %c0_i32 : i32, i32
  }
  func.func @transform_2(%arg0: i32) -> (i32, i32) {
    %c0_i32 = arith.constant 0 : i32
    %c0_i32_0 = arith.constant 0 : i32
    %c0_i32_1 = arith.constant 0 : i32
    return %c0_i32, %c0_i32_0 : i32, i32
  }
  func.func @transform_3(%arg0: i32) -> (i32, i32) {
    %c0_i32 = arith.constant 0 : i32
    %c0_i32_0 = arith.constant 0 : i32
    %c0_i32_1 = arith.constant 0 : i32
    return %c0_i32, %c0_i32_0 : i32, i32
  }
  func.func @transform_4(%arg0: i32) -> (i32, i32) {
    %c0_i32 = arith.constant 0 : i32
    %c0_i32_0 = arith.constant 0 : i32
    return %arg0, %c0_i32 : i32, i32
  }
}

module attributes {stable_mosaic.version = 14 : i64} {
  func.func @_finalize_body(%arg0: i32, %arg1: memref<2x1000x128xf32, #tpu.memory_space<vmem>>, %arg2: memref<1000x1xf32, #tpu.memory_space<vmem>>, %arg3: memref<5x1000x16xf32, #tpu.memory_space<vmem>>, %arg4: memref<16x100xf32, #tpu.memory_space<vmem>>, %arg5: memref<1x100xf32, #tpu.memory_space<vmem>>, %arg6: memref<16x256xf32, #tpu.memory_space<vmem>>, %arg7: memref<1x256xf32, #tpu.memory_space<vmem>>, %arg8: memref<256x256xf32, #tpu.memory_space<vmem>>, %arg9: memref<1x256xf32, #tpu.memory_space<vmem>>, %arg10: memref<16x20xf32, #tpu.memory_space<vmem>>, %arg11: memref<1x20xf32, #tpu.memory_space<vmem>>, %arg12: memref<1000x16xf32, #tpu.memory_space<vmem>>, %arg13: memref<1000x100xf32, #tpu.memory_space<vmem>>, %arg14: memref<1000x320xf32, #tpu.memory_space<vmem>>) attributes {dimension_semantics = [#tpu.dimension_semantics<arbitrary>], iteration_bounds = array<i64: 10>, scalar_prefetch = 0 : i64, scratch_operands = 0 : i64, tpu.core_type = #tpu.core_type<tc>, window_params = [{transform_indices = @transform_0, window_bounds = array<i64: 2, 1000, 128>}, {transform_indices = @transform_1, window_bounds = array<i64: 1000, 1>}, {transform_indices = @transform_2, window_bounds = array<i64: 5, 1000, 16>}, {pipeline_mode = #tpu.pipeline_mode<synchronous>, transform_indices = @transform_3, window_bounds = array<i64: 16, 100>}, {pipeline_mode = #tpu.pipeline_mode<synchronous>, transform_indices = @transform_4, window_bounds = array<i64: 1, 100>}, {pipeline_mode = #tpu.pipeline_mode<synchronous>, transform_indices = @transform_5, window_bounds = array<i64: 16, 256>}, {pipeline_mode = #tpu.pipeline_mode<synchronous>, transform_indices = @transform_6, window_bounds = array<i64: 1, 256>}, {pipeline_mode = #tpu.pipeline_mode<synchronous>, transform_indices = @transform_7, window_bounds = array<i64: 256, 256>}, {pipeline_mode = #tpu.pipeline_mode<synchronous>, transform_indices = @transform_8, window_bounds = array<i64: 1, 256>}, {pipeline_mode = #tpu.pipeline_mode<synchronous>, transform_indices = @transform_9, window_bounds = array<i64: 16, 20>}, {pipeline_mode = #tpu.pipeline_mode<synchronous>, transform_indices = @transform_10, window_bounds = array<i64: 1, 20>}, {transform_indices = @transform_11, window_bounds = array<i64: 1000, 16>}, {transform_indices = @transform_12, window_bounds = array<i64: 1000, 100>}, {transform_indices = @transform_13, window_bounds = array<i64: 1000, 320>}]} {
    %get3A = arith.constant 0 : index
    %get3A_0 = arith.constant 0 : index
    %get3A_1 = vector.load %arg2[%get3A, %get3A_0] : memref<1000x1xf32, #tpu.memory_space<vmem>>, vector<1000x1xf32>
    %get3A_2 = arith.constant 0 : index
    %get3A_3 = arith.constant 0 : index
    %get3A_4 = arith.constant 0 : index
    %get3A_5 = vector.load %arg1[%get3A_2, %get3A_3, %get3A_4] : memref<2x1000x128xf32, #tpu.memory_space<vmem>>, vector<1x1000x128xf32>
    %get3A_6 = vector.shape_cast %get3A_5 : vector<1x1000x128xf32> to vector<1000x128xf32>
    %get3A_7 = arith.constant 1 : index
    %get3A_8 = arith.constant 0 : index
    %get3A_9 = arith.constant 0 : index
    %get3A_10 = vector.load %arg1[%get3A_7, %get3A_8, %get3A_9] : memref<2x1000x128xf32, #tpu.memory_space<vmem>>, vector<1x1000x128xf32>
    %get3A_11 = vector.shape_cast %get3A_10 : vector<1x1000x128xf32> to vector<1000x128xf32>
    %add3A = arith.addf %get3A_6, %get3A_11 : vector<1000x128xf32>
    %mul3A = vector.broadcast %get3A_1 : vector<1000x1xf32> to vector<1000x128xf32>
    %mul3A_12 = arith.mulf %add3A, %mul3A : vector<1000x128xf32>
    %slice3A = vector.extract_strided_slice %mul3A_12 {offsets = [0, 0], sizes = [1000, 16], strides = [1, 1]} : vector<1000x128xf32> to vector<1000x16xf32>
    %get3A_13 = arith.constant 0 : index
    %get3A_14 = arith.constant 0 : index
    %get3A_15 = arith.constant 0 : index
    %get3A_16 = vector.load %arg3[%get3A_13, %get3A_14, %get3A_15] : memref<5x1000x16xf32, #tpu.memory_space<vmem>>, vector<1x1000x16xf32>
    %get3A_17 = vector.shape_cast %get3A_16 : vector<1x1000x16xf32> to vector<1000x16xf32>
    %slice3A_18 = vector.extract_strided_slice %mul3A_12 {offsets = [0, 16], sizes = [1000, 16], strides = [1, 1]} : vector<1000x128xf32> to vector<1000x16xf32>
    %exp3A = math.exp %slice3A_18 : vector<1000x16xf32>
    %mul3A_19 = arith.mulf %get3A_17, %exp3A : vector<1000x16xf32>
    %add3A_20 = arith.addf %slice3A, %mul3A_19 : vector<1000x16xf32>
    %get3A_21 = arith.constant 1 : index
    %get3A_22 = arith.constant 0 : index
    %get3A_23 = arith.constant 0 : index
    %get3A_24 = vector.load %arg3[%get3A_21, %get3A_22, %get3A_23] : memref<5x1000x16xf32, #tpu.memory_space<vmem>>, vector<1x1000x16xf32>
    %get3A_25 = vector.shape_cast %get3A_24 : vector<1x1000x16xf32> to vector<1000x16xf32>
    %slice3A_26 = vector.extract_strided_slice %mul3A_12 {offsets = [0, 32], sizes = [1000, 16], strides = [1, 1]} : vector<1000x128xf32> to vector<1000x16xf32>
    %exp3A_27 = math.exp %slice3A_26 : vector<1000x16xf32>
    %mul3A_28 = arith.mulf %get3A_25, %exp3A_27 : vector<1000x16xf32>
    %add3A_29 = arith.addf %add3A_20, %mul3A_28 : vector<1000x16xf32>
    %get3A_30 = arith.constant 2 : index
    %get3A_31 = arith.constant 0 : index
    %get3A_32 = arith.constant 0 : index
    %get3A_33 = vector.load %arg3[%get3A_30, %get3A_31, %get3A_32] : memref<5x1000x16xf32, #tpu.memory_space<vmem>>, vector<1x1000x16xf32>
    %get3A_34 = vector.shape_cast %get3A_33 : vector<1x1000x16xf32> to vector<1000x16xf32>
    %slice3A_35 = vector.extract_strided_slice %mul3A_12 {offsets = [0, 48], sizes = [1000, 16], strides = [1, 1]} : vector<1000x128xf32> to vector<1000x16xf32>
    %exp3A_36 = math.exp %slice3A_35 : vector<1000x16xf32>
    %mul3A_37 = arith.mulf %get3A_34, %exp3A_36 : vector<1000x16xf32>
    %add3A_38 = arith.addf %add3A_29, %mul3A_37 : vector<1000x16xf32>
    %get3A_39 = arith.constant 3 : index
    %get3A_40 = arith.constant 0 : index
    %get3A_41 = arith.constant 0 : index
    %get3A_42 = vector.load %arg3[%get3A_39, %get3A_40, %get3A_41] : memref<5x1000x16xf32, #tpu.memory_space<vmem>>, vector<1x1000x16xf32>
    %get3A_43 = vector.shape_cast %get3A_42 : vector<1x1000x16xf32> to vector<1000x16xf32>
    %slice3A_44 = vector.extract_strided_slice %mul3A_12 {offsets = [0, 64], sizes = [1000, 16], strides = [1, 1]} : vector<1000x128xf32> to vector<1000x16xf32>
    %exp3A_45 = math.exp %slice3A_44 : vector<1000x16xf32>
    %mul3A_46 = arith.mulf %get3A_43, %exp3A_45 : vector<1000x16xf32>
    %add3A_47 = arith.addf %add3A_38, %mul3A_46 : vector<1000x16xf32>
    %get3A_48 = arith.constant 4 : index
    %get3A_49 = arith.constant 0 : index
    %get3A_50 = arith.constant 0 : index
    %get3A_51 = vector.load %arg3[%get3A_48, %get3A_49, %get3A_50] : memref<5x1000x16xf32, #tpu.memory_space<vmem>>, vector<1x1000x16xf32>
    %get3A_52 = vector.shape_cast %get3A_51 : vector<1x1000x16xf32> to vector<1000x16xf32>
    %slice3A_53 = vector.extract_strided_slice %mul3A_12 {offsets = [0, 80], sizes = [1000, 16], strides = [1, 1]} : vector<1000x128xf32> to vector<1000x16xf32>
    %exp3A_54 = math.exp %slice3A_53 : vector<1000x16xf32>
    %mul3A_55 = arith.mulf %get3A_52, %exp3A_54 : vector<1000x16xf32>
    %add3A_56 = arith.addf %add3A_47, %mul3A_55 : vector<1000x16xf32>
    %mul3A_57 = arith.constant 2.000000e-01 : f32
    %mul3A_58 = vector.broadcast %mul3A_57 : f32 to vector<1000x16xf32>
    %mul3A_59 = arith.mulf %mul3A_58, %add3A_56 : vector<1000x16xf32>
    %swap3A = arith.constant 0 : index
    %swap3A_60 = arith.constant 0 : index
    %swap3A_61 = vector.load %arg12[%swap3A, %swap3A_60] : memref<1000x16xf32, #tpu.memory_space<vmem>>, vector<1000x16xf32>
    tpu.vector_store %arg12[%swap3A, %swap3A_60], %mul3A_59 {strides = array<i32>} : memref<1000x16xf32, #tpu.memory_space<vmem>>, vector<1000x16xf32>,
    %get3A_62 = arith.constant 0 : index
    %get3A_63 = arith.constant 0 : index
    %get3A_64 = vector.load %arg4[%get3A_62, %get3A_63] : memref<16x100xf32, #tpu.memory_space<vmem>>, vector<16x100xf32>
    %dot_general3A = arith.constant dense<0.000000e+00> : vector<1000x100xf32>
    %dot_general3A_65 = tpu.matmul %slice3A, %get3A_64, %dot_general3A {dimension_numbers = #tpu.dot_dimension_numbers<[1], [0], [0], [1], [0, 0, 1, 1], [], []>, transpose_lhs_hint = false} : vector<1000x16xf32>, vector<16x100xf32>, vector<1000x100xf32> -> vector<1000x100xf32>
    %get3A_66 = arith.constant 0 : index
    %get3A_67 = arith.constant 0 : index
    %get3A_68 = vector.load %arg5[%get3A_66, %get3A_67] : memref<1x100xf32, #tpu.memory_space<vmem>>, vector<1x100xf32>
    %add3A_69 = vector.broadcast %get3A_68 : vector<1x100xf32> to vector<1000x100xf32>
    %add3A_70 = arith.addf %dot_general3A_65, %add3A_69 : vector<1000x100xf32>
    %swap3A_71 = arith.constant 0 : index
    %swap3A_72 = arith.constant 0 : index
    %swap3A_73 = vector.load %arg13[%swap3A_71, %swap3A_72] : memref<1000x100xf32, #tpu.memory_space<vmem>>, vector<1000x100xf32>
    tpu.vector_store %arg13[%swap3A_71, %swap3A_72], %add3A_70 {strides = array<i32>} : memref<1000x100xf32, #tpu.memory_space<vmem>>, vector<1000x100xf32>,
    %get3A_74 = arith.constant 0 : index
    %get3A_75 = arith.constant 0 : index
    %get3A_76 = vector.load %arg6[%get3A_74, %get3A_75] : memref<16x256xf32, #tpu.memory_space<vmem>>, vector<16x256xf32>
    %dot_general3A_77 = arith.constant dense<0.000000e+00> : vector<1000x256xf32>
    %dot_general3A_78 = tpu.matmul %slice3A, %get3A_76, %dot_general3A_77 {dimension_numbers = #tpu.dot_dimension_numbers<[1], [0], [0], [1], [0, 0, 1, 1], [], []>, transpose_lhs_hint = false} : vector<1000x16xf32>, vector<16x256xf32>, vector<1000x256xf32> -> vector<1000x256xf32>
    %get3A_79 = arith.constant 0 : index
    %get3A_80 = arith.constant 0 : index
    %get3A_81 = vector.load %arg7[%get3A_79, %get3A_80] : memref<1x256xf32, #tpu.memory_space<vmem>>, vector<1x256xf32>
    %add3A_82 = vector.broadcast %get3A_81 : vector<1x256xf32> to vector<1000x256xf32>
    %add3A_83 = arith.addf %dot_general3A_78, %add3A_82 : vector<1000x256xf32>
    %max3A = arith.constant 0.000000e+00 : f32
    %max3A_84 = vector.broadcast %max3A : f32 to vector<1000x256xf32>
    %max3A_85 = arith.maximumf %add3A_83, %max3A_84 : vector<1000x256xf32>
    %get3A_86 = arith.constant 0 : index
    %get3A_87 = arith.constant 0 : index
    %get3A_88 = vector.load %arg8[%get3A_86, %get3A_87] : memref<256x256xf32, #tpu.memory_space<vmem>>, vector<256x256xf32>
    %dot_general3A_89 = arith.constant dense<0.000000e+00> : vector<1000x256xf32>
    %dot_general3A_90 = tpu.matmul %max3A_85, %get3A_88, %dot_general3A_89 {dimension_numbers = #tpu.dot_dimension_numbers<[1], [0], [0], [1], [0, 0, 1, 1], [], []>, transpose_lhs_hint = false} : vector<1000x256xf32>, vector<256x256xf32>, vector<1000x256xf32> -> vector<1000x256xf32>
    %get3A_91 = arith.constant 0 : index
    %get3A_92 = arith.constant 0 : index
    %get3A_93 = vector.load %arg9[%get3A_91, %get3A_92] : memref<1x256xf32, #tpu.memory_space<vmem>>, vector<1x256xf32>
    %add3A_94 = vector.broadcast %get3A_93 : vector<1x256xf32> to vector<1000x256xf32>
    %add3A_95 = arith.addf %dot_general3A_90, %add3A_94 : vector<1000x256xf32>
    %max3A_96 = arith.constant 0.000000e+00 : f32
    %max3A_97 = vector.broadcast %max3A_96 : f32 to vector<1000x256xf32>
    %max3A_98 = arith.maximumf %add3A_95, %max3A_97 : vector<1000x256xf32>
    %slice3A_99 = vector.extract_strided_slice %max3A_98 {offsets = [0, 0], sizes = [1000, 16], strides = [1, 1]} : vector<1000x256xf32> to vector<1000x16xf32>
    %get3A_100 = arith.constant 0 : index
    %get3A_101 = arith.constant 0 : index
    %get3A_102 = vector.load %arg10[%get3A_100, %get3A_101] : memref<16x20xf32, #tpu.memory_space<vmem>>, vector<16x20xf32>
    %dot_general3A_103 = arith.constant dense<0.000000e+00> : vector<1000x20xf32>
    %dot_general3A_104 = tpu.matmul %slice3A_99, %get3A_102, %dot_general3A_103 {dimension_numbers = #tpu.dot_dimension_numbers<[1], [0], [0], [1], [0, 0, 1, 1], [], []>, transpose_lhs_hint = false} : vector<1000x16xf32>, vector<16x20xf32>, vector<1000x20xf32> -> vector<1000x20xf32>
    %get3A_105 = arith.constant 0 : index
    %get3A_106 = arith.constant 0 : index
    %get3A_107 = vector.load %arg11[%get3A_105, %get3A_106] : memref<1x20xf32, #tpu.memory_space<vmem>>, vector<1x20xf32>
    %add3A_108 = vector.broadcast %get3A_107 : vector<1x20xf32> to vector<1000x20xf32>
    %add3A_109 = arith.addf %dot_general3A_104, %add3A_108 : vector<1000x20xf32>
    %swap3A_110 = arith.constant 0 : index
    %swap3A_111 = arith.constant 0 : index
    %swap3A_112 = vector.load %arg14[%swap3A_110, %swap3A_111] : memref<1000x320xf32, #tpu.memory_space<vmem>>, vector<1000x20xf32>
    tpu.vector_store %arg14[%swap3A_110, %swap3A_111], %add3A_109 {strides = array<i32>} : memref<1000x320xf32, #tpu.memory_space<vmem>>, vector<1000x20xf32>,
    %slice3A_113 = vector.extract_strided_slice %max3A_98 {offsets = [0, 16], sizes = [1000, 16], strides = [1, 1]} : vector<1000x256xf32> to vector<1000x16xf32>
    %get3A_114 = arith.constant 0 : index
    %get3A_115 = arith.constant 0 : index
    %get3A_116 = vector.load %arg10[%get3A_114, %get3A_115] : memref<16x20xf32, #tpu.memory_space<vmem>>, vector<16x20xf32>
    %dot_general3A_117 = arith.constant dense<0.000000e+00> : vector<1000x20xf32>
    %dot_general3A_118 = tpu.matmul %slice3A_113, %get3A_116, %dot_general3A_117 {dimension_numbers = #tpu.dot_dimension_numbers<[1], [0], [0], [1], [0, 0, 1, 1], [], []>, transpose_lhs_hint = false} : vector<1000x16xf32>, vector<16x20xf32>, vector<1000x20xf32> -> vector<1000x20xf32>
    %get3A_119 = arith.constant 0 : index
    %get3A_120 = arith.constant 0 : index
    %get3A_121 = vector.load %arg11[%get3A_119, %get3A_120] : memref<1x20xf32, #tpu.memory_space<vmem>>, vector<1x20xf32>
    %add3A_122 = vector.broadcast %get3A_121 : vector<1x20xf32> to vector<1000x20xf32>
    %add3A_123 = arith.addf %dot_general3A_118, %add3A_122 : vector<1000x20xf32>
    %swap3A_124 = arith.constant 0 : index
    %swap3A_125 = arith.constant 20 : index
    %swap3A_126 = vector.load %arg14[%swap3A_124, %swap3A_125] : memref<1000x320xf32, #tpu.memory_space<vmem>>, vector<1000x20xf32>
    tpu.vector_store %arg14[%swap3A_124, %swap3A_125], %add3A_123 {strides = array<i32>} : memref<1000x320xf32, #tpu.memory_space<vmem>>, vector<1000x20xf32>,
    %slice3A_127 = vector.extract_strided_slice %max3A_98 {offsets = [0, 32], sizes = [1000, 16], strides = [1, 1]} : vector<1000x256xf32> to vector<1000x16xf32>
    %get3A_128 = arith.constant 0 : index
    %get3A_129 = arith.constant 0 : index
    %get3A_130 = vector.load %arg10[%get3A_128, %get3A_129] : memref<16x20xf32, #tpu.memory_space<vmem>>, vector<16x20xf32>
    %dot_general3A_131 = arith.constant dense<0.000000e+00> : vector<1000x20xf32>
    %dot_general3A_132 = tpu.matmul %slice3A_127, %get3A_130, %dot_general3A_131 {dimension_numbers = #tpu.dot_dimension_numbers<[1], [0], [0], [1], [0, 0, 1, 1], [], []>, transpose_lhs_hint = false} : vector<1000x16xf32>, vector<16x20xf32>, vector<1000x20xf32> -> vector<1000x20xf32>
    %get3A_133 = arith.constant 0 : index
    %get3A_134 = arith.constant 0 : index
    %get3A_135 = vector.load %arg11[%get3A_133, %get3A_134] : memref<1x20xf32, #tpu.memory_space<vmem>>, vector<1x20xf32>
    %add3A_136 = vector.broadcast %get3A_135 : vector<1x20xf32> to vector<1000x20xf32>
    %add3A_137 = arith.addf %dot_general3A_132, %add3A_136 : vector<1000x20xf32>
    %swap3A_138 = arith.constant 0 : index
    %swap3A_139 = arith.constant 40 : index
    %swap3A_140 = vector.load %arg14[%swap3A_138, %swap3A_139] : memref<1000x320xf32, #tpu.memory_space<vmem>>, vector<1000x20xf32>
    tpu.vector_store %arg14[%swap3A_138, %swap3A_139], %add3A_137 {strides = array<i32>} : memref<1000x320xf32, #tpu.memory_space<vmem>>, vector<1000x20xf32>,
    %slice3A_141 = vector.extract_strided_slice %max3A_98 {offsets = [0, 48], sizes = [1000, 16], strides = [1, 1]} : vector<1000x256xf32> to vector<1000x16xf32>
    %get3A_142 = arith.constant 0 : index
    %get3A_143 = arith.constant 0 : index
    %get3A_144 = vector.load %arg10[%get3A_142, %get3A_143] : memref<16x20xf32, #tpu.memory_space<vmem>>, vector<16x20xf32>
    %dot_general3A_145 = arith.constant dense<0.000000e+00> : vector<1000x20xf32>
    %dot_general3A_146 = tpu.matmul %slice3A_141, %get3A_144, %dot_general3A_145 {dimension_numbers = #tpu.dot_dimension_numbers<[1], [0], [0], [1], [0, 0, 1, 1], [], []>, transpose_lhs_hint = false} : vector<1000x16xf32>, vector<16x20xf32>, vector<1000x20xf32> -> vector<1000x20xf32>
    %get3A_147 = arith.constant 0 : index
    %get3A_148 = arith.constant 0 : index
    %get3A_149 = vector.load %arg11[%get3A_147, %get3A_148] : memref<1x20xf32, #tpu.memory_space<vmem>>, vector<1x20xf32>
    %add3A_150 = vector.broadcast %get3A_149 : vector<1x20xf32> to vector<1000x20xf32>
    %add3A_151 = arith.addf %dot_general3A_146, %add3A_150 : vector<1000x20xf32>
    %swap3A_152 = arith.constant 0 : index
    %swap3A_153 = arith.constant 60 : index
    %swap3A_154 = vector.load %arg14[%swap3A_152, %swap3A_153] : memref<1000x320xf32, #tpu.memory_space<vmem>>, vector<1000x20xf32>
    tpu.vector_store %arg14[%swap3A_152, %swap3A_153], %add3A_151 {strides = array<i32>} : memref<1000x320xf32, #tpu.memory_space<vmem>>, vector<1000x20xf32>,
    %slice3A_155 = vector.extract_strided_slice %max3A_98 {offsets = [0, 64], sizes = [1000, 16], strides = [1, 1]} : vector<1000x256xf32> to vector<1000x16xf32>
    %get3A_156 = arith.constant 0 : index
    %get3A_157 = arith.constant 0 : index
    %get3A_158 = vector.load %arg10[%get3A_156, %get3A_157] : memref<16x20xf32, #tpu.memory_space<vmem>>, vector<16x20xf32>
    %dot_general3A_159 = arith.constant dense<0.000000e+00> : vector<1000x20xf32>
    %dot_general3A_160 = tpu.matmul %slice3A_155, %get3A_158, %dot_general3A_159 {dimension_numbers = #tpu.dot_dimension_numbers<[1], [0], [0], [1], [0, 0, 1, 1], [], []>, transpose_lhs_hint = false} : vector<1000x16xf32>, vector<16x20xf32>, vector<1000x20xf32> -> vector<1000x20xf32>
    %get3A_161 = arith.constant 0 : index
    %get3A_162 = arith.constant 0 : index
    %get3A_163 = vector.load %arg11[%get3A_161, %get3A_162] : memref<1x20xf32, #tpu.memory_space<vmem>>, vector<1x20xf32>
    %add3A_164 = vector.broadcast %get3A_163 : vector<1x20xf32> to vector<1000x20xf32>
    %add3A_165 = arith.addf %dot_general3A_160, %add3A_164 : vector<1000x20xf32>
    %swap3A_166 = arith.constant 0 : index
    %swap3A_167 = arith.constant 80 : index
    %swap3A_168 = vector.load %arg14[%swap3A_166, %swap3A_167] : memref<1000x320xf32, #tpu.memory_space<vmem>>, vector<1000x20xf32>
    tpu.vector_store %arg14[%swap3A_166, %swap3A_167], %add3A_165 {strides = array<i32>} : memref<1000x320xf32, #tpu.memory_space<vmem>>, vector<1000x20xf32>,
    %slice3A_169 = vector.extract_strided_slice %max3A_98 {offsets = [0, 80], sizes = [1000, 16], strides = [1, 1]} : vector<1000x256xf32> to vector<1000x16xf32>
    %get3A_170 = arith.constant 0 : index
    %get3A_171 = arith.constant 0 : index
    %get3A_172 = vector.load %arg10[%get3A_170, %get3A_171] : memref<16x20xf32, #tpu.memory_space<vmem>>, vector<16x20xf32>
    %dot_general3A_173 = arith.constant dense<0.000000e+00> : vector<1000x20xf32>
    %dot_general3A_174 = tpu.matmul %slice3A_169, %get3A_172, %dot_general3A_173 {dimension_numbers = #tpu.dot_dimension_numbers<[1], [0], [0], [1], [0, 0, 1, 1], [], []>, transpose_lhs_hint = false} : vector<1000x16xf32>, vector<16x20xf32>, vector<1000x20xf32> -> vector<1000x20xf32>
    %get3A_175 = arith.constant 0 : index
    %get3A_176 = arith.constant 0 : index
    %get3A_177 = vector.load %arg11[%get3A_175, %get3A_176] : memref<1x20xf32, #tpu.memory_space<vmem>>, vector<1x20xf32>
    %add3A_178 = vector.broadcast %get3A_177 : vector<1x20xf32> to vector<1000x20xf32>
    %add3A_179 = arith.addf %dot_general3A_174, %add3A_178 : vector<1000x20xf32>
    %swap3A_180 = arith.constant 0 : index
    %swap3A_181 = arith.constant 100 : index
    %swap3A_182 = vector.load %arg14[%swap3A_180, %swap3A_181] : memref<1000x320xf32, #tpu.memory_space<vmem>>, vector<1000x20xf32>
    tpu.vector_store %arg14[%swap3A_180, %swap3A_181], %add3A_179 {strides = array<i32>} : memref<1000x320xf32, #tpu.memory_space<vmem>>, vector<1000x20xf32>,
    %slice3A_183 = vector.extract_strided_slice %max3A_98 {offsets = [0, 96], sizes = [1000, 16], strides = [1, 1]} : vector<1000x256xf32> to vector<1000x16xf32>
    %get3A_184 = arith.constant 0 : index
    %get3A_185 = arith.constant 0 : index
    %get3A_186 = vector.load %arg10[%get3A_184, %get3A_185] : memref<16x20xf32, #tpu.memory_space<vmem>>, vector<16x20xf32>
    %dot_general3A_187 = arith.constant dense<0.000000e+00> : vector<1000x20xf32>
    %dot_general3A_188 = tpu.matmul %slice3A_183, %get3A_186, %dot_general3A_187 {dimension_numbers = #tpu.dot_dimension_numbers<[1], [0], [0], [1], [0, 0, 1, 1], [], []>, transpose_lhs_hint = false} : vector<1000x16xf32>, vector<16x20xf32>, vector<1000x20xf32> -> vector<1000x20xf32>
    %get3A_189 = arith.constant 0 : index
    %get3A_190 = arith.constant 0 : index
    %get3A_191 = vector.load %arg11[%get3A_189, %get3A_190] : memref<1x20xf32, #tpu.memory_space<vmem>>, vector<1x20xf32>
    %add3A_192 = vector.broadcast %get3A_191 : vector<1x20xf32> to vector<1000x20xf32>
    %add3A_193 = arith.addf %dot_general3A_188, %add3A_192 : vector<1000x20xf32>
    %swap3A_194 = arith.constant 0 : index
    %swap3A_195 = arith.constant 120 : index
    %swap3A_196 = vector.load %arg14[%swap3A_194, %swap3A_195] : memref<1000x320xf32, #tpu.memory_space<vmem>>, vector<1000x20xf32>
    tpu.vector_store %arg14[%swap3A_194, %swap3A_195], %add3A_193 {strides = array<i32>} : memref<1000x320xf32, #tpu.memory_space<vmem>>, vector<1000x20xf32>,
    %slice3A_197 = vector.extract_strided_slice %max3A_98 {offsets = [0, 112], sizes = [1000, 16], strides = [1, 1]} : vector<1000x256xf32> to vector<1000x16xf32>
    %get3A_198 = arith.constant 0 : index
    %get3A_199 = arith.constant 0 : index
    %get3A_200 = vector.load %arg10[%get3A_198, %get3A_199] : memref<16x20xf32, #tpu.memory_space<vmem>>, vector<16x20xf32>
    %dot_general3A_201 = arith.constant dense<0.000000e+00> : vector<1000x20xf32>
    %dot_general3A_202 = tpu.matmul %slice3A_197, %get3A_200, %dot_general3A_201 {dimension_numbers = #tpu.dot_dimension_numbers<[1], [0], [0], [1], [0, 0, 1, 1], [], []>, transpose_lhs_hint = false} : vector<1000x16xf32>, vector<16x20xf32>, vector<1000x20xf32> -> vector<1000x20xf32>
    %get3A_203 = arith.constant 0 : index
    %get3A_204 = arith.constant 0 : index
    %get3A_205 = vector.load %arg11[%get3A_203, %get3A_204] : memref<1x20xf32, #tpu.memory_space<vmem>>, vector<1x20xf32>
    %add3A_206 = vector.broadcast %get3A_205 : vector<1x20xf32> to vector<1000x20xf32>
    %add3A_207 = arith.addf %dot_general3A_202, %add3A_206 : vector<1000x20xf32>
    %swap3A_208 = arith.constant 0 : index
    %swap3A_209 = arith.constant 140 : index
    %swap3A_210 = vector.load %arg14[%swap3A_208, %swap3A_209] : memref<1000x320xf32, #tpu.memory_space<vmem>>, vector<1000x20xf32>
    tpu.vector_store %arg14[%swap3A_208, %swap3A_209], %add3A_207 {strides = array<i32>} : memref<1000x320xf32, #tpu.memory_space<vmem>>, vector<1000x20xf32>,
    %slice3A_211 = vector.extract_strided_slice %max3A_98 {offsets = [0, 128], sizes = [1000, 16], strides = [1, 1]} : vector<1000x256xf32> to vector<1000x16xf32>
    %get3A_212 = arith.constant 0 : index
    %get3A_213 = arith.constant 0 : index
    %get3A_214 = vector.load %arg10[%get3A_212, %get3A_213] : memref<16x20xf32, #tpu.memory_space<vmem>>, vector<16x20xf32>
    %dot_general3A_215 = arith.constant dense<0.000000e+00> : vector<1000x20xf32>
    %dot_general3A_216 = tpu.matmul %slice3A_211, %get3A_214, %dot_general3A_215 {dimension_numbers = #tpu.dot_dimension_numbers<[1], [0], [0], [1], [0, 0, 1, 1], [], []>, transpose_lhs_hint = false} : vector<1000x16xf32>, vector<16x20xf32>, vector<1000x20xf32> -> vector<1000x20xf32>
    %get3A_217 = arith.constant 0 : index
    %get3A_218 = arith.constant 0 : index
    %get3A_219 = vector.load %arg11[%get3A_217, %get3A_218] : memref<1x20xf32, #tpu.memory_space<vmem>>, vector<1x20xf32>
    %add3A_220 = vector.broadcast %get3A_219 : vector<1x20xf32> to vector<1000x20xf32>
    %add3A_221 = arith.addf %dot_general3A_216, %add3A_220 : vector<1000x20xf32>
    %swap3A_222 = arith.constant 0 : index
    %swap3A_223 = arith.constant 160 : index
    %swap3A_224 = vector.load %arg14[%swap3A_222, %swap3A_223] : memref<1000x320xf32, #tpu.memory_space<vmem>>, vector<1000x20xf32>
    tpu.vector_store %arg14[%swap3A_222, %swap3A_223], %add3A_221 {strides = array<i32>} : memref<1000x320xf32, #tpu.memory_space<vmem>>, vector<1000x20xf32>,
    %slice3A_225 = vector.extract_strided_slice %max3A_98 {offsets = [0, 144], sizes = [1000, 16], strides = [1, 1]} : vector<1000x256xf32> to vector<1000x16xf32>
    %get3A_226 = arith.constant 0 : index
    %get3A_227 = arith.constant 0 : index
    %get3A_228 = vector.load %arg10[%get3A_226, %get3A_227] : memref<16x20xf32, #tpu.memory_space<vmem>>, vector<16x20xf32>
    %dot_general3A_229 = arith.constant dense<0.000000e+00> : vector<1000x20xf32>
    %dot_general3A_230 = tpu.matmul %slice3A_225, %get3A_228, %dot_general3A_229 {dimension_numbers = #tpu.dot_dimension_numbers<[1], [0], [0], [1], [0, 0, 1, 1], [], []>, transpose_lhs_hint = false} : vector<1000x16xf32>, vector<16x20xf32>, vector<1000x20xf32> -> vector<1000x20xf32>
    %get3A_231 = arith.constant 0 : index
    %get3A_232 = arith.constant 0 : index
    %get3A_233 = vector.load %arg11[%get3A_231, %get3A_232] : memref<1x20xf32, #tpu.memory_space<vmem>>, vector<1x20xf32>
    %add3A_234 = vector.broadcast %get3A_233 : vector<1x20xf32> to vector<1000x20xf32>
    %add3A_235 = arith.addf %dot_general3A_230, %add3A_234 : vector<1000x20xf32>
    %swap3A_236 = arith.constant 0 : index
    %swap3A_237 = arith.constant 180 : index
    %swap3A_238 = vector.load %arg14[%swap3A_236, %swap3A_237] : memref<1000x320xf32, #tpu.memory_space<vmem>>, vector<1000x20xf32>
    tpu.vector_store %arg14[%swap3A_236, %swap3A_237], %add3A_235 {strides = array<i32>} : memref<1000x320xf32, #tpu.memory_space<vmem>>, vector<1000x20xf32>,
    %slice3A_239 = vector.extract_strided_slice %max3A_98 {offsets = [0, 160], sizes = [1000, 16], strides = [1, 1]} : vector<1000x256xf32> to vector<1000x16xf32>
    %get3A_240 = arith.constant 0 : index
    %get3A_241 = arith.constant 0 : index
    %get3A_242 = vector.load %arg10[%get3A_240, %get3A_241] : memref<16x20xf32, #tpu.memory_space<vmem>>, vector<16x20xf32>
    %dot_general3A_243 = arith.constant dense<0.000000e+00> : vector<1000x20xf32>
    %dot_general3A_244 = tpu.matmul %slice3A_239, %get3A_242, %dot_general3A_243 {dimension_numbers = #tpu.dot_dimension_numbers<[1], [0], [0], [1], [0, 0, 1, 1], [], []>, transpose_lhs_hint = false} : vector<1000x16xf32>, vector<16x20xf32>, vector<1000x20xf32> -> vector<1000x20xf32>
    %get3A_245 = arith.constant 0 : index
    %get3A_246 = arith.constant 0 : index
    %get3A_247 = vector.load %arg11[%get3A_245, %get3A_246] : memref<1x20xf32, #tpu.memory_space<vmem>>, vector<1x20xf32>
    %add3A_248 = vector.broadcast %get3A_247 : vector<1x20xf32> to vector<1000x20xf32>
    %add3A_249 = arith.addf %dot_general3A_244, %add3A_248 : vector<1000x20xf32>
    %swap3A_250 = arith.constant 0 : index
    %swap3A_251 = arith.constant 200 : index
    %swap3A_252 = vector.load %arg14[%swap3A_250, %swap3A_251] : memref<1000x320xf32, #tpu.memory_space<vmem>>, vector<1000x20xf32>
    tpu.vector_store %arg14[%swap3A_250, %swap3A_251], %add3A_249 {strides = array<i32>} : memref<1000x320xf32, #tpu.memory_space<vmem>>, vector<1000x20xf32>,
    %slice3A_253 = vector.extract_strided_slice %max3A_98 {offsets = [0, 176], sizes = [1000, 16], strides = [1, 1]} : vector<1000x256xf32> to vector<1000x16xf32>
    %get3A_254 = arith.constant 0 : index
    %get3A_255 = arith.constant 0 : index
    %get3A_256 = vector.load %arg10[%get3A_254, %get3A_255] : memref<16x20xf32, #tpu.memory_space<vmem>>, vector<16x20xf32>
    %dot_general3A_257 = arith.constant dense<0.000000e+00> : vector<1000x20xf32>
    %dot_general3A_258 = tpu.matmul %slice3A_253, %get3A_256, %dot_general3A_257 {dimension_numbers = #tpu.dot_dimension_numbers<[1], [0], [0], [1], [0, 0, 1, 1], [], []>, transpose_lhs_hint = false} : vector<1000x16xf32>, vector<16x20xf32>, vector<1000x20xf32> -> vector<1000x20xf32>
    %get3A_259 = arith.constant 0 : index
    %get3A_260 = arith.constant 0 : index
    %get3A_261 = vector.load %arg11[%get3A_259, %get3A_260] : memref<1x20xf32, #tpu.memory_space<vmem>>, vector<1x20xf32>
    %add3A_262 = vector.broadcast %get3A_261 : vector<1x20xf32> to vector<1000x20xf32>
    %add3A_263 = arith.addf %dot_general3A_258, %add3A_262 : vector<1000x20xf32>
    %swap3A_264 = arith.constant 0 : index
    %swap3A_265 = arith.constant 220 : index
    %swap3A_266 = vector.load %arg14[%swap3A_264, %swap3A_265] : memref<1000x320xf32, #tpu.memory_space<vmem>>, vector<1000x20xf32>
    tpu.vector_store %arg14[%swap3A_264, %swap3A_265], %add3A_263 {strides = array<i32>} : memref<1000x320xf32, #tpu.memory_space<vmem>>, vector<1000x20xf32>,
    %slice3A_267 = vector.extract_strided_slice %max3A_98 {offsets = [0, 192], sizes = [1000, 16], strides = [1, 1]} : vector<1000x256xf32> to vector<1000x16xf32>
    %get3A_268 = arith.constant 0 : index
    %get3A_269 = arith.constant 0 : index
    %get3A_270 = vector.load %arg10[%get3A_268, %get3A_269] : memref<16x20xf32, #tpu.memory_space<vmem>>, vector<16x20xf32>
    %dot_general3A_271 = arith.constant dense<0.000000e+00> : vector<1000x20xf32>
    %dot_general3A_272 = tpu.matmul %slice3A_267, %get3A_270, %dot_general3A_271 {dimension_numbers = #tpu.dot_dimension_numbers<[1], [0], [0], [1], [0, 0, 1, 1], [], []>, transpose_lhs_hint = false} : vector<1000x16xf32>, vector<16x20xf32>, vector<1000x20xf32> -> vector<1000x20xf32>
    %get3A_273 = arith.constant 0 : index
    %get3A_274 = arith.constant 0 : index
    %get3A_275 = vector.load %arg11[%get3A_273, %get3A_274] : memref<1x20xf32, #tpu.memory_space<vmem>>, vector<1x20xf32>
    %add3A_276 = vector.broadcast %get3A_275 : vector<1x20xf32> to vector<1000x20xf32>
    %add3A_277 = arith.addf %dot_general3A_272, %add3A_276 : vector<1000x20xf32>
    %swap3A_278 = arith.constant 0 : index
    %swap3A_279 = arith.constant 240 : index
    %swap3A_280 = vector.load %arg14[%swap3A_278, %swap3A_279] : memref<1000x320xf32, #tpu.memory_space<vmem>>, vector<1000x20xf32>
    tpu.vector_store %arg14[%swap3A_278, %swap3A_279], %add3A_277 {strides = array<i32>} : memref<1000x320xf32, #tpu.memory_space<vmem>>, vector<1000x20xf32>,
    %slice3A_281 = vector.extract_strided_slice %max3A_98 {offsets = [0, 208], sizes = [1000, 16], strides = [1, 1]} : vector<1000x256xf32> to vector<1000x16xf32>
    %get3A_282 = arith.constant 0 : index
    %get3A_283 = arith.constant 0 : index
    %get3A_284 = vector.load %arg10[%get3A_282, %get3A_283] : memref<16x20xf32, #tpu.memory_space<vmem>>, vector<16x20xf32>
    %dot_general3A_285 = arith.constant dense<0.000000e+00> : vector<1000x20xf32>
    %dot_general3A_286 = tpu.matmul %slice3A_281, %get3A_284, %dot_general3A_285 {dimension_numbers = #tpu.dot_dimension_numbers<[1], [0], [0], [1], [0, 0, 1, 1], [], []>, transpose_lhs_hint = false} : vector<1000x16xf32>, vector<16x20xf32>, vector<1000x20xf32> -> vector<1000x20xf32>
    %get3A_287 = arith.constant 0 : index
    %get3A_288 = arith.constant 0 : index
    %get3A_289 = vector.load %arg11[%get3A_287, %get3A_288] : memref<1x20xf32, #tpu.memory_space<vmem>>, vector<1x20xf32>
    %add3A_290 = vector.broadcast %get3A_289 : vector<1x20xf32> to vector<1000x20xf32>
    %add3A_291 = arith.addf %dot_general3A_286, %add3A_290 : vector<1000x20xf32>
    %swap3A_292 = arith.constant 0 : index
    %swap3A_293 = arith.constant 260 : index
    %swap3A_294 = vector.load %arg14[%swap3A_292, %swap3A_293] : memref<1000x320xf32, #tpu.memory_space<vmem>>, vector<1000x20xf32>
    tpu.vector_store %arg14[%swap3A_292, %swap3A_293], %add3A_291 {strides = array<i32>} : memref<1000x320xf32, #tpu.memory_space<vmem>>, vector<1000x20xf32>,
    %slice3A_295 = vector.extract_strided_slice %max3A_98 {offsets = [0, 224], sizes = [1000, 16], strides = [1, 1]} : vector<1000x256xf32> to vector<1000x16xf32>
    %get3A_296 = arith.constant 0 : index
    %get3A_297 = arith.constant 0 : index
    %get3A_298 = vector.load %arg10[%get3A_296, %get3A_297] : memref<16x20xf32, #tpu.memory_space<vmem>>, vector<16x20xf32>
    %dot_general3A_299 = arith.constant dense<0.000000e+00> : vector<1000x20xf32>
    %dot_general3A_300 = tpu.matmul %slice3A_295, %get3A_298, %dot_general3A_299 {dimension_numbers = #tpu.dot_dimension_numbers<[1], [0], [0], [1], [0, 0, 1, 1], [], []>, transpose_lhs_hint = false} : vector<1000x16xf32>, vector<16x20xf32>, vector<1000x20xf32> -> vector<1000x20xf32>
    %get3A_301 = arith.constant 0 : index
    %get3A_302 = arith.constant 0 : index
    %get3A_303 = vector.load %arg11[%get3A_301, %get3A_302] : memref<1x20xf32, #tpu.memory_space<vmem>>, vector<1x20xf32>
    %add3A_304 = vector.broadcast %get3A_303 : vector<1x20xf32> to vector<1000x20xf32>
    %add3A_305 = arith.addf %dot_general3A_300, %add3A_304 : vector<1000x20xf32>
    %swap3A_306 = arith.constant 0 : index
    %swap3A_307 = arith.constant 280 : index
    %swap3A_308 = vector.load %arg14[%swap3A_306, %swap3A_307] : memref<1000x320xf32, #tpu.memory_space<vmem>>, vector<1000x20xf32>
    tpu.vector_store %arg14[%swap3A_306, %swap3A_307], %add3A_305 {strides = array<i32>} : memref<1000x320xf32, #tpu.memory_space<vmem>>, vector<1000x20xf32>,
    %slice3A_309 = vector.extract_strided_slice %max3A_98 {offsets = [0, 240], sizes = [1000, 16], strides = [1, 1]} : vector<1000x256xf32> to vector<1000x16xf32>
    %get3A_310 = arith.constant 0 : index
    %get3A_311 = arith.constant 0 : index
    %get3A_312 = vector.load %arg10[%get3A_310, %get3A_311] : memref<16x20xf32, #tpu.memory_space<vmem>>, vector<16x20xf32>
    %dot_general3A_313 = arith.constant dense<0.000000e+00> : vector<1000x20xf32>
    %dot_general3A_314 = tpu.matmul %slice3A_309, %get3A_312, %dot_general3A_313 {dimension_numbers = #tpu.dot_dimension_numbers<[1], [0], [0], [1], [0, 0, 1, 1], [], []>, transpose_lhs_hint = false} : vector<1000x16xf32>, vector<16x20xf32>, vector<1000x20xf32> -> vector<1000x20xf32>
    %get3A_315 = arith.constant 0 : index
    %get3A_316 = arith.constant 0 : index
    %get3A_317 = vector.load %arg11[%get3A_315, %get3A_316] : memref<1x20xf32, #tpu.memory_space<vmem>>, vector<1x20xf32>
    %add3A_318 = vector.broadcast %get3A_317 : vector<1x20xf32> to vector<1000x20xf32>
    %add3A_319 = arith.addf %dot_general3A_314, %add3A_318 : vector<1000x20xf32>
    %swap3A_320 = arith.constant 0 : index
    %swap3A_321 = arith.constant 300 : index
    %swap3A_322 = vector.load %arg14[%swap3A_320, %swap3A_321] : memref<1000x320xf32, #tpu.memory_space<vmem>>, vector<1000x20xf32>
    tpu.vector_store %arg14[%swap3A_320, %swap3A_321], %add3A_319 {strides = array<i32>} : memref<1000x320xf32, #tpu.memory_space<vmem>>, vector<1000x20xf32>,
    return
  }
  func.func @transform_0(%arg0: i32) -> (i32, i32, i32) {
    %c0_i32 = arith.constant 0 : i32
    %c0_i32_0 = arith.constant 0 : i32
    %c0_i32_1 = arith.constant 0 : i32
    return %c0_i32, %arg0, %c0_i32_0 : i32, i32, i32
  }
  func.func @transform_1(%arg0: i32) -> (i32, i32) {
    %c0_i32 = arith.constant 0 : i32
    %c0_i32_0 = arith.constant 0 : i32
    return %arg0, %c0_i32 : i32, i32
  }
  func.func @transform_2(%arg0: i32) -> (i32, i32, i32) {
    %c0_i32 = arith.constant 0 : i32
    %c0_i32_0 = arith.constant 0 : i32
    %c0_i32_1 = arith.constant 0 : i32
    return %c0_i32, %arg0, %c0_i32_0 : i32, i32, i32
  }
  func.func @transform_3(%arg0: i32) -> (i32, i32) {
    %c0_i32 = arith.constant 0 : i32
    %c0_i32_0 = arith.constant 0 : i32
    %c0_i32_1 = arith.constant 0 : i32
    return %c0_i32, %c0_i32_0 : i32, i32
  }
  func.func @transform_4(%arg0: i32) -> (i32, i32) {
    %c0_i32 = arith.constant 0 : i32
    %c0_i32_0 = arith.constant 0 : i32
    %c0_i32_1 = arith.constant 0 : i32
    return %c0_i32, %c0_i32_0 : i32, i32
  }
  func.func @transform_5(%arg0: i32) -> (i32, i32) {
    %c0_i32 = arith.constant 0 : i32
    %c0_i32_0 = arith.constant 0 : i32
    %c0_i32_1 = arith.constant 0 : i32
    return %c0_i32, %c0_i32_0 : i32, i32
  }
  func.func @transform_6(%arg0: i32) -> (i32, i32) {
    %c0_i32 = arith.constant 0 : i32
    %c0_i32_0 = arith.constant 0 : i32
    %c0_i32_1 = arith.constant 0 : i32
    return %c0_i32, %c0_i32_0 : i32, i32
  }
  func.func @transform_7(%arg0: i32) -> (i32, i32) {
    %c0_i32 = arith.constant 0 : i32
    %c0_i32_0 = arith.constant 0 : i32
    %c0_i32_1 = arith.constant 0 : i32
    return %c0_i32, %c0_i32_0 : i32, i32
  }
  func.func @transform_8(%arg0: i32) -> (i32, i32) {
    %c0_i32 = arith.constant 0 : i32
    %c0_i32_0 = arith.constant 0 : i32
    %c0_i32_1 = arith.constant 0 : i32
    return %c0_i32, %c0_i32_0 : i32, i32
  }
  func.func @transform_9(%arg0: i32) -> (i32, i32) {
    %c0_i32 = arith.constant 0 : i32
    %c0_i32_0 = arith.constant 0 : i32
    %c0_i32_1 = arith.constant 0 : i32
    return %c0_i32, %c0_i32_0 : i32, i32
  }
  func.func @transform_10(%arg0: i32) -> (i32, i32) {
    %c0_i32 = arith.constant 0 : i32
    %c0_i32_0 = arith.constant 0 : i32
    %c0_i32_1 = arith.constant 0 : i32
    return %c0_i32, %c0_i32_0 : i32, i32
  }
  func.func @transform_11(%arg0: i32) -> (i32, i32) {
    %c0_i32 = arith.constant 0 : i32
    %c0_i32_0 = arith.constant 0 : i32
    return %arg0, %c0_i32 : i32, i32
  }
  func.func @transform_12(%arg0: i32) -> (i32, i32) {
    %c0_i32 = arith.constant 0 : i32
    %c0_i32_0 = arith.constant 0 : i32
    return %arg0, %c0_i32 : i32, i32
  }
  func.func @transform_13(%arg0: i32) -> (i32, i32) {
    %c0_i32 = arith.constant 0 : i32
    %c0_i32_0 = arith.constant 0 : i32
    return %arg0, %c0_i32 : i32, i32
  }
}

module attributes {stable_mosaic.version = 14 : i64} {
  func.func @_recon_body(%arg0: i32, %arg1: memref<400x16xf32, #tpu.memory_space<vmem>>, %arg2: memref<16x10000xf32, #tpu.memory_space<vmem>>, %arg3: memref<400x10000xf32, #tpu.memory_space<vmem>>) attributes {dimension_semantics = [#tpu.dimension_semantics<arbitrary>], iteration_bounds = array<i64: 25>, scalar_prefetch = 0 : i64, scratch_operands = 0 : i64, tpu.core_type = #tpu.core_type<tc>, window_params = [{transform_indices = @transform_0, window_bounds = array<i64: 400, 16>}, {pipeline_mode = #tpu.pipeline_mode<synchronous>, transform_indices = @transform_1, window_bounds = array<i64: 16, 10000>}, {transform_indices = @transform_2, window_bounds = array<i64: 400, 10000>}]} {
    %get3A = arith.constant 0 : index
    %get3A_0 = arith.constant 0 : index
    %get3A_1 = vector.load %arg1[%get3A, %get3A_0] : memref<400x16xf32, #tpu.memory_space<vmem>>, vector<400x16xf32>
    %get3A_2 = arith.constant 0 : index
    %get3A_3 = arith.constant 0 : index
    %get3A_4 = vector.load %arg2[%get3A_2, %get3A_3] : memref<16x10000xf32, #tpu.memory_space<vmem>>, vector<16x10000xf32>
    %dot_general3A = arith.constant dense<0.000000e+00> : vector<400x10000xf32>
    %dot_general3A_5 = tpu.matmul %get3A_1, %get3A_4, %dot_general3A {dimension_numbers = #tpu.dot_dimension_numbers<[1], [0], [0], [1], [0, 0, 1, 1], [], []>, transpose_lhs_hint = false} : vector<400x16xf32>, vector<16x10000xf32>, vector<400x10000xf32> -> vector<400x10000xf32>
    %swap3A = arith.constant 0 : index
    %swap3A_6 = arith.constant 0 : index
    %swap3A_7 = vector.load %arg3[%swap3A, %swap3A_6] : memref<400x10000xf32, #tpu.memory_space<vmem>>, vector<400x10000xf32>
    tpu.vector_store %arg3[%swap3A, %swap3A_6], %dot_general3A_5 {strides = array<i32>} : memref<400x10000xf32, #tpu.memory_space<vmem>>, vector<400x10000xf32>,
    return
  }
  func.func @transform_0(%arg0: i32) -> (i32, i32) {
    %c0_i32 = arith.constant 0 : i32
    %c0_i32_0 = arith.constant 0 : i32
    return %arg0, %c0_i32 : i32, i32
  }
  func.func @transform_1(%arg0: i32) -> (i32, i32) {
    %c0_i32 = arith.constant 0 : i32
    %c0_i32_0 = arith.constant 0 : i32
    %c0_i32_1 = arith.constant 0 : i32
    return %c0_i32, %c0_i32_0 : i32, i32
  }
  func.func @transform_2(%arg0: i32) -> (i32, i32) {
    %c0_i32 = arith.constant 0 : i32
    %c0_i32_0 = arith.constant 0 : i32
    return %arg0, %c0_i32 : i32, i32
  }
}

</mosaic_0001>

<sc_bundles>
// kernel: kernel.12.cloned.1.call-start
scs
__scs_entry_jumppad:
0x0: {  	(pc) =	sbr.rel $0x88, $3  }
0x1: {  	(tag) =	ssettag $0x0;
	lr =	simm.s32 $0x1  }
0x2: {  	[smem:$0x3F85] =	sst lr;
	_ =	strace $0xD0000000  }
0x3: {  	_ = 	snop  }
0x4: {  	_ = 	snop  }
0x5: {  	_ = 	snop  }
0x6: {  	_ = 	snop  }
0x7: {  	_ = 	snop  }
__scs_overlays_trampoline_lowered:
0x8: {  	[smem:$0x3F94] =	sst s0  }
0x9: {  	[smem:$0x3F95] =	sst s1  }
0xa: {  	[smem:$0x3F96] =	sst s2  }
0xb: {  	[smem:$0x3F97] =	sst s3  }
0xc: {  	[smem:$0x3F98] =	sst s4  }
0xd: {  	[smem:$0x3F99] =	sst s5  }
0xe: {  	[smem:$0x3F9A] =	sst s6  }
0xf: {  	[smem:$0x3F9B] =	sst s7  }
0x10: {  	[smem:$0x3F9C] =	sst s8  }
0x11: {  	[smem:$0x3F9D] =	sst s9;
	s0 =	simm.s32 @!p0 $0x0  }
0x12: {  	s1 =	sld [smem:$0x3F83];
	s0 =	simm.s32 @p0 $0x1  }
0x13: {  	[smem:$0x3F9E] =	sst s0;
	s0 =	simm.s32 @!p1 $0x0  }
0x14: {  	s2 =	sld [smem:$0x3F82];
	s0 =	simm.s32 @p1 $0x1  }
0x15: {  	[smem:$0x3F9F] =	sst s0;
	s0 =	simm.s32 @!p2 $0x0  }
0x16: {  	s3 =	sld [smem:$0x3FDB];
	s0 =	simm.s32 @p2 $0x1  }
0x17: {  	s4 =	simm.s32 $0x1BF5;
	[smem:$0x3FA1] =	sst s0  }
0x18: {  	s0 =	sld [smem:$0x3F84];
	_ =	swait.ge [sflag:s4], $0x0  }
0x19: {  	s7 =	sld [smem:$0x3F85]  }
0x1a: {  	s8 =	sadd.s32 $0xFFFFE003, lr  }
0x1b: {  	s9 =	sadd.s32 $0xFFFFFEF7, lr;
	s5 =	simm.s32 $0xFFFFFFFF;
	p2 =	slt.u32 s8, $0xFFFFF086  }
0x1c: {  	p1 =	slt.u32 s9, $0xF7A;
	s5 =	simm.s32 @!p2 $0x0  }
0x1d: {  	s5 =	simm.s32 @p1 $0x1;
	p0 =	seq.s32 s7, s2  }
0x1e: {  	s7 =	smul.u32 @!p0 $0xF7A, s2;
	p2 =	seq.s32 @!p0 s5, $0x0  }
0x1f: {  	s9 =	smul.u32 $0xF7A, s1;
	s8 =	simm.s32 @!p0 $0x1BF5;
	p2 =	por !p2, p0  }
0x20: {  	[sflag:s8] =	ssyncset.s32 @!p0 $0xFFFFF086;
	s6 =	sadd.s32 @!p0 s3, s7;
	s7 =	simm.s32 @!p0 $0x108  }
0x21: {  	s3 =	sadd.s32 s3, s9;
	s6 =	sadd.s32 @!p0 $0x88, s6;
	s7 =	simm.s32 @p2 $0x1082  }
0x22: {  	[simem:s7], [sflag:s8] =	dma.local @!p0 [hbm:s6], $0xF7A  }
0x23: {  	s9 =	sor.u32 $0xD0000000, s2;
	s6 =	simm.s32 $0x108;
	_ =	swait.ge @!p0 [sflag:s8], $0x0  }
0x24: {  	s3 =	sadd.s32 $0x88, s3;
	s6 =	simm.s32 @!p1 $0x1082;
	[sflag:s4] =	ssyncset.s32 $0xFFFFF086  }
0x25: {  	[simem:s6], [sflag:s4] =	dma.local [hbm:s3], $0xF7A  }
0x26: {  	[smem:$0x3F85] =	sst s1;
	(tag) =	ssettag s2;
	_ =	strace s9  }
0x27: {  	s1 =	sld [smem:$0x3F95]  }
0x28: {  	s2 =	sld [smem:$0x3F96]  }
0x29: {  	s4 =	sld [smem:$0x3F98]  }
0x2a: {  	p0 =	seq.s32 s5, $0x0;
	s5 =	sld [smem:$0x3F99]  }
0x2b: {  	s6 =	sld [smem:$0x3F9A]  }
0x2c: {  	s7 =	sld [smem:$0x3F9B]  }
0x2d: {  	s3 =	simm.s32 $0x108;
	s8 =	sld [smem:$0x3F9C]  }
0x2e: {  	s3 =	simm.s32 @!p0 $0x1082;
	s9 =	sld [smem:$0x3F9D]  }
0x2f: {  	lr =	sadd.s32 s0, s3;
	s0 =	sld [smem:$0x3F94]  }
0x30: {  	s3 =	sld [smem:$0x3F97]  }
0x31: {  	[smem:$0x3FA0] =	sst s10  }
0x32: {  	s10 =	sld [smem:$0x3F9E];
	_ =	sdelay $0x3  }
0x33: {  	p0 =	seq.s32 s10, $0x1;
	s10 =	sld [smem:$0x3FA0];
	_ =	sdelay $0x3  }
0x34: {  	[smem:$0x3FA0] =	sst s10  }
0x35: {  	s10 =	sld [smem:$0x3F9F];
	_ =	sdelay $0x3  }
0x36: {  	p1 =	seq.s32 s10, $0x1;
	s10 =	sld [smem:$0x3FA0];
	_ =	sdelay $0x3  }
0x37: {  	[smem:$0x3FA0] =	sst s10  }
0x38: {  	s10 =	sld [smem:$0x3FA1]  }
0x39: {  	_ = 	snop;
	(pc) =	sbr.ind lr, $3  }
0x3a: {  	_ = 	snop  }
0x3b: {  	_ = 	snop  }
0x3c: {  	p2 =	seq.s32 s10, $0x1;
	s10 =	sld [smem:$0x3FA0]  }
0x3d: {  	_ =	shalt  }
0x3e: {  	_ =	shalt  }
0x3f: {  	_ =	shalt  }
0x40: {  	_ =	shalt  }
0x41: {  	_ =	shalt  }
0x42: {  	_ =	shalt  }
0x43: {  	_ =	shalt  }
0x44: {  	_ =	shalt  }
0x45: {  	_ =	shalt  }
0x46: {  	_ =	shalt  }
0x47: {  	_ =	shalt  }
0x48: {  	_ =	shalt  }
0x49: {  	_ =	shalt  }
0x4a: {  	_ =	shalt  }
0x4b: {  	_ =	shalt  }
0x4c: {  	_ =	shalt  }
0x4d: {  	_ =	shalt  }
0x4e: {  	_ =	shalt  }
0x4f: {  	_ =	shalt  }
0x50: {  	_ =	shalt  }
0x51: {  	_ =	shalt  }
0x52: {  	_ =	shalt  }
0x53: {  	_ =	shalt  }
0x54: {  	_ =	shalt  }
0x55: {  	_ =	shalt  }
0x56: {  	_ =	shalt  }
0x57: {  	_ =	shalt  }
0x58: {  	_ =	shalt  }
0x59: {  	_ =	shalt  }
0x5a: {  	_ =	shalt  }
0x5b: {  	_ =	shalt  }
0x5c: {  	_ =	shalt  }
0x5d: {  	_ =	shalt  }
0x5e: {  	_ =	shalt  }
0x5f: {  	_ =	shalt  }
0x60: {  	_ =	shalt  }
0x61: {  	_ =	shalt  }
0x62: {  	_ =	shalt  }
0x63: {  	_ =	shalt  }
0x64: {  	_ =	shalt  }
0x65: {  	_ =	shalt  }
0x66: {  	_ =	shalt  }
0x67: {  	_ =	shalt  }
0x68: {  	_ =	shalt  }
0x69: {  	_ =	shalt  }
0x6a: {  	_ =	shalt  }
0x6b: {  	_ =	shalt  }
0x6c: {  	_ =	shalt  }
0x6d: {  	_ =	shalt  }
0x6e: {  	_ =	shalt  }
0x6f: {  	_ =	shalt  }
0x70: {  	_ =	shalt  }
0x71: {  	_ =	shalt  }
0x72: {  	_ =	shalt  }
0x73: {  	_ =	shalt  }
0x74: {  	_ =	shalt  }
0x75: {  	_ =	shalt  }
0x76: {  	_ =	shalt  }
0x77: {  	_ =	shalt  }
0x78: {  	_ =	shalt  }
0x79: {  	_ =	shalt  }
0x7a: {  	_ =	shalt  }
0x7b: {  	_ =	shalt  }
0x7c: {  	_ =	shalt  }
0x7d: {  	_ =	shalt  }
0x7e: {  	_ =	shalt  }
0x7f: {  	_ =	shalt  }
0x80: {  	_ =	shalt  }
0x81: {  	_ =	shalt  }
0x82: {  	_ =	shalt  }
0x83: {  	_ =	shalt  }
0x84: {  	_ =	shalt  }
0x85: {  	_ =	shalt  }
0x86: {  	_ =	shalt  }
0x87: {  	_ =	shalt  }
.Lfunc_end0:
.L_simem_size_0:
called_computation.1_lowered:
.L_overlay_start_0:
0x88: {  	s2 =	sld [smem:$0x3FD9]  }
0x89: {  	s3 =	sld [smem:$0x3FFE];
	_ =	sdelay $0x1  }
0x8a: {  	s1 =	srdreg.scid  }
0x8b: {  	s0 =	sand.u32 $0x1, s1  }
0x8c: {  	s17 =	sshll.u32 s0, $0xA;
	s2 =	sadd.s32 s3, s2  }
0x8d: {  	s2 =	sadd.s32 s2, s17  }
0x8e: {  	[smem:$0x3FAC] =	sst s2  }
0x8f: {  	_ = 	snop  }
0x90: {  	s2 =	sld [smem:$0x3FD0];
	(tm) =	ssettm $0x1  }
0x91: {  	s18 =	sld [smem:$0x3FFB];
	_ =	sdelay $0x3  }
0x92: {  	_ =	strace s18  }
0x93: {  	s3 =	sld [smem:$0x3FFC];
	_ =	sdelay $0x3  }
0x94: {  	_ =	strace s3  }
0x95: {  	s3 =	sld [smem:$0x3FFD];
	_ =	sdelay $0x3  }
0x96: {  	_ =	strace s3  }
0x97: {  	_ =	strace $0x8FFFFFFF  }
0x98: {  	s19 =	sld [smem:$0x3FDB];
	_ =	sdelay $0x1  }
0x99: {  	s4 =	simm.s32 $_scs_section_size  }
0x9a: {  	s5 =	simm.s32 $_size__tile_overlayer_lowered;
	s6 =	simm.s32 $_tile_overlayer_lowered  }
0x9b: {  	s22 =	simm.s32 $0x1BFF;
	s21 =	sshll.u32 s6, $0x1;
	s3 =	sadd.s32 s4, s19  }
0x9c: {  	s7 =	simm.s32 $0x0;
	s20 =	sshll.u32 s5, $0x1;
	s5 =	sadd.s32 s21, s3  }
0x9d: {  	[timem:s7], [sflag:s22] =	dma.local [hbm:s5], s20  }
0x9e: {  	_ =	swait.ge [sflag:s22], s20  }
0x9f: {  	s4 =	ssub.s32 $0x0, s20;
	[sflag:s22] =	ssyncset.done $0x0  }
0xa0: {  	[sflag:s22] =	ssyncadd.s32 s4;
	_ =	sdelay $0x1  }
0xa1: {  	s23 =	simm.s32 $0x1B8B  }
0xa2: {  	_ =	swait.ge [sflag:s23], $0x1  }
0xa3: {  	[sflag:s23] =	ssyncset.done $0x0  }
0xa4: {  	s25 =	simm.s32 $0x1B8E;
	s24 =	sld [smem:$0x3FFE];
	[sflag:s23] =	ssyncadd.s32 $0xFFFFFFFF  }
0xa5: {  	s26 =	simm.s32 $execute0_lowered;
	[smem:$0x3FD2] =	sst s25  }
0xa6: {  	s5 =	sshll.u32 s26, $0x1;
	_ =	strace $0x80000049;
	[dreg:$0x1] =	wrdreg $0xFFFFFFFF  }
0xa7: {  	s28 =	simm.s32 $_size_execute0_lowered;
	s3 =	sadd.s32 s3, s5;
	[dreg:$0x0] =	wrdreg $0x0  }
0xa8: {  	s5 =	sshll.u32 s28, $0x1;
	[dreg:$0x2] =	wrdreg s3  }
0xa9: {  	[dreg:$0x3] =	wrdreg s5  }
0xaa: {  	[dreg:$0x4] =	wrdreg $0xC0  }
0xab: {  	_ =	task [dreg:s7], $0x5FFFF  }
0xac: {  	[dreg:$0x1] =	wrdreg $0xFFFFFFFF  }
0xad: {  	[dreg:$0x0] =	wrdreg $0x60  }
0xae: {  	[dreg:$0x2] =	wrdreg s24  }
0xaf: {  	[dreg:$0x3] =	wrdreg s2  }
0xb0: {  	[dreg:$0x4] =	wrdreg $0x82000  }
0xb1: {  	[dreg:$0x5] =	wrdreg $0x9  }
0xb2: {  	_ =	task.clear_ibuf [dreg:s7], $0x6FFFF;
	_ =	strace $0x90000049  }
0xb3: {  	s29 =	simm.s32 $0x9;
	_ =	strace $0x8000004B  }
0xb4: {  	_ =	swait.ge [sflag:s29], $0x1  }
0xb5: {  	[sflag:s29] =	ssyncadd.s32 $0xFFFFFFFF  }
0xb6: {  	_ =	strace $0x9000004B  }
0xb7: {  	_ =	sfence  }
0xb8: {  	s30 =	sld [smem:$0x0];
	_ =	sdelay $0x2  }
0xb9: {  	s31 =	sshll.u32 s1, $0xD;
	s1 =	sshrl.u32 s1, $0x2  }
0xba: {  	s3 =	sand.u32 $0x4000, s31;
	s1 =	sadd.s32 s1, s30  }
0xbb: {  	s0 =	sor.u32 s3, s0;
	s1 =	sshll.u32 s1, $0x11  }
0xbc: {  	s0 =	sor.u32 s1, s0  }
0xbd: {  	s0 =	sadd.s32 $0x8F2B, s0  }
0xbe: {  	[sflag:s0] =	ssyncadd.remote.s32 $0x1  }
0xbf: {  	_ =	sfence.sel $0xFFFF  }
0xc0: {  	[dreg:$0x0] =	wrdreg $0xFFFFFFFF;
	(pc) =	sbr.abs _section_cstart, $3  }
0xc1: {  	[dreg:$0x1] =	wrdreg $0xFFFFFFFF  }
0xc2: {  	_ =	task.clear_ibuf [dreg:s7], $0x2FFFF;
	_ =	strace $0x9FFFFFFF  }
0xc3: {  	(tm) =	ssettm $0x7FFFFFFF  }
tec
execute0_lowered:
.L_overlay_start_1:
0x0: {  	(tag) =	ssettag $0x1  }
0x1: {  	s5 =	rddreg [dreg:$0x0]  }
0x2: {  	s9 =	rddreg [dreg:$0x1]  }
0x3: {  	s1 =	rddreg [dreg:$0x2];
	s2 =	srdreg.scid  }
0x4: {  	s0 =	rddreg [dreg:$0x3];
	s3 =	simm.s32 $0x0;
	s17 =	simm.s32 $0x200  }
0x5: {  	s18 =	simm.s32 $0x100;
	s19 =	simm.s32 $0x3;
	s20 =	simm.s32 $0x2  }
0x6: {  	s21 =	simm.s32 $0x4200;
	s8 =	sand.u32 $0x1, s2;
	s2 =	stileid.u32  }
0x7: {  	s22 =	simm.s32 $0x80;
	s23 =	simm.s32 $0x4;
	s7 =	smul.u32 $0x4F000, s2  }
0x8: {  	s24 =	simm.s32 $0x1;
	s25 =	simm.s32 $0x180;
	s12 =	smul.u32 $0x138800, s8  }
0x9: {  	s26 =	simm.s32 $0x0;
	[smem:$0x7FF] =	sst s3;
	s14 =	smul.u32 $0x13C00, s2  }
0xa: {  	s10 =	sadd.s32 $0x11E00, s5;
	s4 =	sshll.u32 s8, $0x4;
	s16 =	smul.u32 $0xA000, s8  }
0xb: {  	_ =	strace $0x8000004A;
	s11 =	ssub.s32 $0x2, s8;
	s30 =	smul.u32 $0xA00, s2  }
0xc: {  	p0 =	seq.s32 s2, $0xF;
	s6 =	sor.u32 s2, s4;
	s4 =	sadd.s32 $0x25E00, s5  }
0xd: {  	s5 =	sadd.s32 $0x4E00, s5;
	s13 =	sshrl.u32 s11, $0x1;
	s6 =	smul.u32 $0xA00, s6  }
0xe: {  	s7 =	sshrl.u32 s7, $0x2;
	s11 =	ssub.s32 s11, s13;
	s13 =	sadd.s32 $0x128400, s1  }
0xf: {  	s14 =	sadd.s32 s14, s12;
	s12 =	sshrl.u32 s12, $0x3;
	s31 =	sadd.s32 s16, s10  }
0x10: {  	s16 =	simm.s32 $0x7D;
	s15 =	sadd.s32 s7, s1;
	s14 =	sshrl.u32 s14, $0x3  }
0x11: {  	s6 =	sadd.s32 s10, s6;
	s8 =	sadd.s32 s9, s14;
	s9 =	sadd.s32 s9, s12  }
0x12: {  	s10 =	smax.u32 s11, $0x1;
	s11 =	sadd.s32 s30, s31;
	s14 =	sshll.u32 @!p0 s2, $0x6  }
0x13: {  	s12 =	sshrl.u32 @p0 s13, $0x3;
	s7 =	sadd.s32 $0x20, s6;
	s9 =	sadd.s32 $0x25080, s9  }
0x14: {  	s13 =	sor.u32 @!p0 $0x1C05, s14;
	s14 =	sshrl.u32 @!p0 s15, $0x3;
	s15 =	simm.s32 $0x5  }
.LBB2_1:
0x15: {  	s28 =	simm.s32 @p0 $0x1FC5  }
0x16: {  	[spmem:s12], [sflag:s28] =	dma.local @p0 [hbm:s5], $0x2080  }
0x17: {  	s28 =	simm.s32 @p0 $0x5  }
0x18: {  	_ =	swait.ge @p0 [sflag:s28], $0x2080  }
0x19: {  	[sflag:s28] =	ssyncset.done @p0 $0x0  }
0x1a: {  	[sflag:s28] =	ssyncadd.s32 @p0 $0xFFFFDF80;
	s28 =	simm.s32 @!p0 $0x5  }
0x1b: {  	[spmem:s14], [sflag:s13] =	dma.local @!p0 [hbm:s5], $0x2780  }
0x1c: {  	_ =	swait.ge @!p0 [sflag:s28], $0x2780  }
0x1d: {  	[sflag:s28] =	ssyncset.done @!p0 $0x0  }
0x1e: {  	[sflag:s28] =	ssyncadd.s32 @!p0 $0xFFFFD880  }
0x1f: {  	[bflag:$0x0] =	sbarrier.arrive $0xFFFF  }
0x20: {  	[tilespmem:s3], [sflag:$0x5] =	stream.linear.gather [hbm4b:s6+s3], $0x100, $0x38;
	[tilespmem:$0x1BA80] =	vst v63  }
0x21: {  	_ =	swait.ge [sflag:s15], $0x100  }
0x22: {  	[sflag:s15] =	ssyncset.done $0x0  }
0x23: {  	[sflag:s15] =	ssyncadd.s32 $0xFFFFFF00  }
0x24: {  	[tilespmem:s17], [sflag:$0x3] =	stream.indirect.gather [hbm4b:s4+s16], $0x80, s3, s16, $0xb8;
	[tilespmem:$0x1BA80] =	vst v63  }
0x25: {  	_ = 	snop  }
0x26: {  	[tilespmem:s18], [sflag:$0x2] =	stream.linear.gather [hbm4b:s7+s3], $0x100, $0x38;
	[tilespmem:$0x1BA80] =	vst v63  }
0x27: {  	_ =	swait.ge [sflag:s19], $0x3E80  }
0x28: {  	[sflag:s19] =	ssyncset.done $0x0  }
0x29: {  	[sflag:s19] =	ssyncadd.s32 $0xFFFFC180  }
0x2a: {  	_ =	swait.ge [sflag:s20], $0x100  }
0x2b: {  	[sflag:s20] =	ssyncset.done $0x0  }
0x2c: {  	[sflag:s20] =	ssyncadd.s32 $0xFFFFFF00  }
0x2d: {  	[tilespmem:s21], [sflag:$0x4] =	stream.indirect.gather [hbm4b:s4+s16], $0x80, s18, s16, $0xb8;
	[tilespmem:$0x1BA80] =	vst v63  }
0x2e: {  	_ = 	snop  }
0x2f: {  	[spmem:s1] =	stream.indirect.scatter.add.f32 [tilespmem:s17], [sflag:$0x5], $0x80, s22, s16, $0xb8;
	[tilespmem:$0x1BA80] =	vst v63  }
0x30: {  	_ =	swait.ge [sflag:s15], $0x3E80  }
0x31: {  	s29 =	sadd.s32 $0xFFFFF640, s11;
	[sflag:s15] =	ssyncset.done $0x0  }
0x32: {  	s28 =	sadd.s32 $0xA00, s29;
	[sflag:s15] =	ssyncadd.s32 $0xFFFFC180  }
0x33: {  	[tilespmem:s3], [sflag:$0x1] =	stream.linear.gather [hbm4b:s28+s3], $0x100, $0x38;
	[tilespmem:$0x1BA80] =	vst v63  }
0x34: {  	_ =	swait.ge [sflag:s23], $0x3E80  }
0x35: {  	[sflag:s23] =	ssyncset.done $0x0  }
0x36: {  	[sflag:s23] =	ssyncadd.s32 $0xFFFFC180  }
0x37: {  	_ =	swait.ge [sflag:s24], $0x100  }
0x38: {  	[sflag:s24] =	ssyncset.done $0x0  }
0x39: {  	[sflag:s24] =	ssyncadd.s32 $0xFFFFFF00  }
0x3a: {  	[tilespmem:s17], [sflag:$0x3] =	stream.indirect.gather [hbm4b:s4+s16], $0x80, s3, s16, $0xb8;
	[tilespmem:$0x1BA80] =	vst v63  }
0x3b: {  	_ = 	snop  }
0x3c: {  	[spmem:s1] =	stream.indirect.scatter.add.f32 [tilespmem:s21], [sflag:$0x5], $0x80, s25, s16, $0xb8;
	[tilespmem:$0x1BA80] =	vst v63  }
0x3d: {  	_ =	swait.ge [sflag:s15], $0x3E80  }
0x3e: {  	[sflag:s15] =	ssyncset.done $0x0  }
0x3f: {  	s29 =	sadd.s32 $0xA20, s29;
	s28 =	simm.s32 $0xFFFFF680;
	[sflag:s15] =	ssyncadd.s32 $0xFFFFC180  }
.LBB2_2:
0x40: {  	[tilespmem:s18], [sflag:$0x2] =	stream.linear.gather [hbm4b:s29+s3], $0x100, $0x38;
	[tilespmem:$0x1BA80] =	vst v63  }
0x41: {  	s29 =	smov.u32 s28  }
0x42: {  	p1 =	sne.s32 s28, $0xFFFFFFC0;
	s28 =	sadd.s32 $0x40, s28;
	_ =	swait.ge [sflag:s19], $0x3E80  }
0x43: {  	[sflag:s19] =	ssyncset.done $0x0  }
0x44: {  	[sflag:s19] =	ssyncadd.s32 $0xFFFFC180  }
0x45: {  	_ =	swait.ge [sflag:s20], $0x100  }
0x46: {  	[sflag:s20] =	ssyncset.done $0x0  }
0x47: {  	[sflag:s20] =	ssyncadd.s32 $0xFFFFFF00  }
0x48: {  	[tilespmem:s21], [sflag:$0x4] =	stream.indirect.gather [hbm4b:s4+s16], $0x80, s18, s16, $0xb8;
	[tilespmem:$0x1BA80] =	vst v63  }
0x49: {  	_ = 	snop  }
0x4a: {  	[spmem:s1] =	stream.indirect.scatter.add.f32 [tilespmem:s17], [sflag:$0x5], $0x80, s22, s16, $0xb8;
	[tilespmem:$0x1BA80] =	vst v63  }
0x4b: {  	_ =	swait.ge [sflag:s15], $0x3E80  }
0x4c: {  	s29 =	sadd.s32 s29, s11;
	[sflag:s15] =	ssyncset.done $0x0  }
0x4d: {  	s30 =	sadd.s32 $0xA00, s29;
	[sflag:s15] =	ssyncadd.s32 $0xFFFFC180  }
0x4e: {  	[tilespmem:s3], [sflag:$0x1] =	stream.linear.gather [hbm4b:s30+s3], $0x100, $0x38;
	[tilespmem:$0x1BA80] =	vst v63  }
0x4f: {  	_ =	swait.ge [sflag:s23], $0x3E80  }
0x50: {  	[sflag:s23] =	ssyncset.done $0x0  }
0x51: {  	[sflag:s23] =	ssyncadd.s32 $0xFFFFC180  }
0x52: {  	_ =	swait.ge [sflag:s24], $0x100  }
0x53: {  	[sflag:s24] =	ssyncset.done $0x0  }
0x54: {  	[sflag:s24] =	ssyncadd.s32 $0xFFFFFF00  }
0x55: {  	[tilespmem:s17], [sflag:$0x3] =	stream.indirect.gather [hbm4b:s4+s16], $0x80, s3, s16, $0xb8;
	[tilespmem:$0x1BA80] =	vst v63  }
.Ltmp0:
0x56: {  	(pc) =	sbr.rel @p1 .LBB2_2-.Ltmp0, $4  }
0x57: {  	[spmem:s1] =	stream.indirect.scatter.add.f32 [tilespmem:s21], [sflag:$0x5], $0x80, s25, s16, $0xb8;
	[tilespmem:$0x1BA80] =	vst v63  }
0x58: {  	_ =	swait.ge [sflag:s15], $0x3E80  }
0x59: {  	[sflag:s15] =	ssyncset.done $0x0  }
0x5a: {  	s29 =	sadd.s32 $0xA20, s29;
	[sflag:s15] =	ssyncadd.s32 $0xFFFFC180  }
0x5b: {  	[tilespmem:s18], [sflag:$0x2] =	stream.linear.gather [hbm4b:s29+s3], $0x100, $0x38;
	[tilespmem:$0x1BA80] =	vst v63  }
0x5c: {  	_ =	swait.ge [sflag:s19], $0x3E80  }
0x5d: {  	[sflag:s19] =	ssyncset.done $0x0  }
0x5e: {  	[sflag:s19] =	ssyncadd.s32 $0xFFFFC180  }
0x5f: {  	_ =	swait.ge [sflag:s20], $0x100  }
0x60: {  	[sflag:s20] =	ssyncset.done $0x0  }
0x61: {  	[sflag:s20] =	ssyncadd.s32 $0xFFFFFF00  }
0x62: {  	[tilespmem:s21], [sflag:$0x4] =	stream.indirect.gather [hbm4b:s4+s16], $0x80, s18, s16, $0xb8;
	[tilespmem:$0x1BA80] =	vst v63  }
0x63: {  	_ = 	snop  }
0x64: {  	[spmem:s1] =	stream.indirect.scatter.add.f32 [tilespmem:s17], [sflag:$0x5], $0x80, s22, s16, $0xb8;
	[tilespmem:$0x1BA80] =	vst v63  }
0x65: {  	_ =	swait.ge [sflag:s15], $0x3E80  }
0x66: {  	[sflag:s15] =	ssyncset.done $0x0  }
0x67: {  	[sflag:s15] =	ssyncadd.s32 $0xFFFFC180  }
0x68: {  	_ =	swait.ge [sflag:s23], $0x3E80  }
0x69: {  	[sflag:s23] =	ssyncset.done $0x0  }
0x6a: {  	[sflag:s23] =	ssyncadd.s32 $0xFFFFC180  }
0x6b: {  	[spmem:s1] =	stream.indirect.scatter.add.f32 [tilespmem:s21], [sflag:$0x5], $0x80, s25, s16, $0xb8;
	[tilespmem:$0x1BA80] =	vst v63  }
0x6c: {  	_ =	swait.ge [sflag:s15], $0x3E80  }
0x6d: {  	[sflag:s15] =	ssyncset.done $0x0  }
0x6e: {  	[sflag:s15] =	ssyncadd.s32 $0xFFFFC180  }
0x6f: {  	s28 =	simm.s32 @p0 $0x1FC5;
	[bflag:$0x0] =	sbarrier.arrive $0xFFFF  }
0x70: {  	[hbm:s9], [sflag:s28] =	dma.local @p0 [spmem:s12], $0x2080  }
0x71: {  	s28 =	simm.s32 @p0 $0x5  }
0x72: {  	s26 =	sadd.s32 $0x1, s26;
	_ =	swait.ge @p0 [sflag:s28], $0x2080  }
0x73: {  	p1 =	sne.s32 s26, s10;
	[sflag:s28] =	ssyncset.done @p0 $0x0  }
.Ltmp1:
0x74: {  	[sflag:s28] =	ssyncadd.s32 @p0 $0xFFFFDF80;
	s28 =	simm.s32 @!p0 $0x5;
	(pc) =	sbr.rel @p1 .LBB2_1-.Ltmp1, $4  }
0x75: {  	[hbm:s8], [sflag:s13] =	dma.local @!p0 [spmem:s14], $0x2780  }
0x76: {  	_ =	swait.ge @!p0 [sflag:s28], $0x2780  }
0x77: {  	[sflag:s28] =	ssyncset.done @!p0 $0x0  }
0x78: {  	[sflag:s28] =	ssyncadd.s32 @!p0 $0xFFFFD880  }
0x79: {  	_ =	sfence.sel $0x180000  }
0x7a: {  	[bflag:$0x0] =	sbarrier.arrive $0xFFFF  }
0x7b: {  	p0 =	sne.s32 s2, $0x0;
	_ =	strace $0x9000004A  }
0x7c: {  	s0 =	sadd.s32 @!p0 $0x100000, s0;
	[bflag:$0x2] =	sbarrier.arrive $0xFFFF  }
0x7d: {  	[sflag:s0] =	ssyncadd.tile.s32 @!p0 $0x1;
	_ =	shalt  }
.Lfunc_end2:
_tile_overlayer_lowered:
.L_overlay_start_2:
0x7e: {  	(tag) =	ssettag $0x2  }
0x7f: {  	s0 =	rddreg [dreg:$0x0];
	s2 =	stileid.u32  }
0x80: {  	s1 =	rddreg [dreg:$0x1];
	p0 =	sne.s32 s2, $0x0  }
0x81: {  	s3 =	rddreg [dreg:$0x2];
	[bflag:$0x3] =	sbarrier.arrive $0xFFFF;
	s2 =	simm.s32 @!p0 $0x1C05  }
0x82: {  	[timem:s3], [sflag:s2] =	dma.local @!p0 [hbm:s0], s1  }
0x83: {  	s0 =	simm.s32 @!p0 $0x5  }
0x84: {  	_ =	swait.ge @!p0 [sflag:s0], s1  }
0x85: {  	s1 =	ssub.s32 @!p0 $0x0, s1;
	[sflag:s0] =	ssyncset.done @!p0 $0x0  }
0x86: {  	[sflag:s0] =	ssyncadd.s32 @!p0 s1  }
0x87: {  	[bflag:$0x3] =	sbarrier.arrive $0xFFFF  }
0x88: {  	_ =	shalt  }

// kernel: kernel.15.cloned.1.call-start
scs
__scs_entry_jumppad:
0x0: {  	(pc) =	sbr.rel $0x88, $3  }
0x1: {  	(tag) =	ssettag $0x0;
	lr =	simm.s32 $0x1  }
0x2: {  	[smem:$0x3F85] =	sst lr;
	_ =	strace $0xD0000000  }
0x3: {  	_ = 	snop  }
0x4: {  	_ = 	snop  }
0x5: {  	_ = 	snop  }
0x6: {  	_ = 	snop  }
0x7: {  	_ = 	snop  }
__scs_overlays_trampoline_lowered:
0x8: {  	[smem:$0x3F94] =	sst s0  }
0x9: {  	[smem:$0x3F95] =	sst s1  }
0xa: {  	[smem:$0x3F96] =	sst s2  }
0xb: {  	[smem:$0x3F97] =	sst s3  }
0xc: {  	[smem:$0x3F98] =	sst s4  }
0xd: {  	[smem:$0x3F99] =	sst s5  }
0xe: {  	[smem:$0x3F9A] =	sst s6  }
0xf: {  	[smem:$0x3F9B] =	sst s7  }
0x10: {  	[smem:$0x3F9C] =	sst s8  }
0x11: {  	[smem:$0x3F9D] =	sst s9;
	s0 =	simm.s32 @!p0 $0x0  }
0x12: {  	s1 =	sld [smem:$0x3F83];
	s0 =	simm.s32 @p0 $0x1  }
0x13: {  	[smem:$0x3F9E] =	sst s0;
	s0 =	simm.s32 @!p1 $0x0  }
0x14: {  	s2 =	sld [smem:$0x3F82];
	s0 =	simm.s32 @p1 $0x1  }
0x15: {  	[smem:$0x3F9F] =	sst s0;
	s0 =	simm.s32 @!p2 $0x0  }
0x16: {  	s3 =	sld [smem:$0x3FDB];
	s0 =	simm.s32 @p2 $0x1  }
0x17: {  	s4 =	simm.s32 $0x1BF5;
	[smem:$0x3FA1] =	sst s0  }
0x18: {  	s0 =	sld [smem:$0x3F84];
	_ =	swait.ge [sflag:s4], $0x0  }
0x19: {  	s7 =	sld [smem:$0x3F85]  }
0x1a: {  	s8 =	sadd.s32 $0xFFFFE003, lr  }
0x1b: {  	s9 =	sadd.s32 $0xFFFFFEF7, lr;
	s5 =	simm.s32 $0xFFFFFFFF;
	p2 =	slt.u32 s8, $0xFFFFF086  }
0x1c: {  	p1 =	slt.u32 s9, $0xF7A;
	s5 =	simm.s32 @!p2 $0x0  }
0x1d: {  	s5 =	simm.s32 @p1 $0x1;
	p0 =	seq.s32 s7, s2  }
0x1e: {  	s7 =	smul.u32 @!p0 $0xF7A, s2;
	p2 =	seq.s32 @!p0 s5, $0x0  }
0x1f: {  	s9 =	smul.u32 $0xF7A, s1;
	s8 =	simm.s32 @!p0 $0x1BF5;
	p2 =	por !p2, p0  }
0x20: {  	[sflag:s8] =	ssyncset.s32 @!p0 $0xFFFFF086;
	s6 =	sadd.s32 @!p0 s3, s7;
	s7 =	simm.s32 @!p0 $0x108  }
0x21: {  	s3 =	sadd.s32 s3, s9;
	s6 =	sadd.s32 @!p0 $0x88, s6;
	s7 =	simm.s32 @p2 $0x1082  }
0x22: {  	[simem:s7], [sflag:s8] =	dma.local @!p0 [hbm:s6], $0xF7A  }
0x23: {  	s9 =	sor.u32 $0xD0000000, s2;
	s6 =	simm.s32 $0x108;
	_ =	swait.ge @!p0 [sflag:s8], $0x0  }
0x24: {  	s3 =	sadd.s32 $0x88, s3;
	s6 =	simm.s32 @!p1 $0x1082;
	[sflag:s4] =	ssyncset.s32 $0xFFFFF086  }
0x25: {  	[simem:s6], [sflag:s4] =	dma.local [hbm:s3], $0xF7A  }
0x26: {  	[smem:$0x3F85] =	sst s1;
	(tag) =	ssettag s2;
	_ =	strace s9  }
0x27: {  	s1 =	sld [smem:$0x3F95]  }
0x28: {  	s2 =	sld [smem:$0x3F96]  }
0x29: {  	s4 =	sld [smem:$0x3F98]  }
0x2a: {  	p0 =	seq.s32 s5, $0x0;
	s5 =	sld [smem:$0x3F99]  }
0x2b: {  	s6 =	sld [smem:$0x3F9A]  }
0x2c: {  	s7 =	sld [smem:$0x3F9B]  }
0x2d: {  	s3 =	simm.s32 $0x108;
	s8 =	sld [smem:$0x3F9C]  }
0x2e: {  	s3 =	simm.s32 @!p0 $0x1082;
	s9 =	sld [smem:$0x3F9D]  }
0x2f: {  	lr =	sadd.s32 s0, s3;
	s0 =	sld [smem:$0x3F94]  }
0x30: {  	s3 =	sld [smem:$0x3F97]  }
0x31: {  	[smem:$0x3FA0] =	sst s10  }
0x32: {  	s10 =	sld [smem:$0x3F9E];
	_ =	sdelay $0x3  }
0x33: {  	p0 =	seq.s32 s10, $0x1;
	s10 =	sld [smem:$0x3FA0];
	_ =	sdelay $0x3  }
0x34: {  	[smem:$0x3FA0] =	sst s10  }
0x35: {  	s10 =	sld [smem:$0x3F9F];
	_ =	sdelay $0x3  }
0x36: {  	p1 =	seq.s32 s10, $0x1;
	s10 =	sld [smem:$0x3FA0];
	_ =	sdelay $0x3  }
0x37: {  	[smem:$0x3FA0] =	sst s10  }
0x38: {  	s10 =	sld [smem:$0x3FA1]  }
0x39: {  	_ = 	snop;
	(pc) =	sbr.ind lr, $3  }
0x3a: {  	_ = 	snop  }
0x3b: {  	_ = 	snop  }
0x3c: {  	p2 =	seq.s32 s10, $0x1;
	s10 =	sld [smem:$0x3FA0]  }
0x3d: {  	_ =	shalt  }
0x3e: {  	_ =	shalt  }
0x3f: {  	_ =	shalt  }
0x40: {  	_ =	shalt  }
0x41: {  	_ =	shalt  }
0x42: {  	_ =	shalt  }
0x43: {  	_ =	shalt  }
0x44: {  	_ =	shalt  }
0x45: {  	_ =	shalt  }
0x46: {  	_ =	shalt  }
0x47: {  	_ =	shalt  }
0x48: {  	_ =	shalt  }
0x49: {  	_ =	shalt  }
0x4a: {  	_ =	shalt  }
0x4b: {  	_ =	shalt  }
0x4c: {  	_ =	shalt  }
0x4d: {  	_ =	shalt  }
0x4e: {  	_ =	shalt  }
0x4f: {  	_ =	shalt  }
0x50: {  	_ =	shalt  }
0x51: {  	_ =	shalt  }
0x52: {  	_ =	shalt  }
0x53: {  	_ =	shalt  }
0x54: {  	_ =	shalt  }
0x55: {  	_ =	shalt  }
0x56: {  	_ =	shalt  }
0x57: {  	_ =	shalt  }
0x58: {  	_ =	shalt  }
0x59: {  	_ =	shalt  }
0x5a: {  	_ =	shalt  }
0x5b: {  	_ =	shalt  }
0x5c: {  	_ =	shalt  }
0x5d: {  	_ =	shalt  }
0x5e: {  	_ =	shalt  }
0x5f: {  	_ =	shalt  }
0x60: {  	_ =	shalt  }
0x61: {  	_ =	shalt  }
0x62: {  	_ =	shalt  }
0x63: {  	_ =	shalt  }
0x64: {  	_ =	shalt  }
0x65: {  	_ =	shalt  }
0x66: {  	_ =	shalt  }
0x67: {  	_ =	shalt  }
0x68: {  	_ =	shalt  }
0x69: {  	_ =	shalt  }
0x6a: {  	_ =	shalt  }
0x6b: {  	_ =	shalt  }
0x6c: {  	_ =	shalt  }
0x6d: {  	_ =	shalt  }
0x6e: {  	_ =	shalt  }
0x6f: {  	_ =	shalt  }
0x70: {  	_ =	shalt  }
0x71: {  	_ =	shalt  }
0x72: {  	_ =	shalt  }
0x73: {  	_ =	shalt  }
0x74: {  	_ =	shalt  }
0x75: {  	_ =	shalt  }
0x76: {  	_ =	shalt  }
0x77: {  	_ =	shalt  }
0x78: {  	_ =	shalt  }
0x79: {  	_ =	shalt  }
0x7a: {  	_ =	shalt  }
0x7b: {  	_ =	shalt  }
0x7c: {  	_ =	shalt  }
0x7d: {  	_ =	shalt  }
0x7e: {  	_ =	shalt  }
0x7f: {  	_ =	shalt  }
0x80: {  	_ =	shalt  }
0x81: {  	_ =	shalt  }
0x82: {  	_ =	shalt  }
0x83: {  	_ =	shalt  }
0x84: {  	_ =	shalt  }
0x85: {  	_ =	shalt  }
0x86: {  	_ =	shalt  }
0x87: {  	_ =	shalt  }
.Lfunc_end0:
.L_simem_size_0:
called_computation.2_lowered:
.L_overlay_start_0:
0x88: {  	s2 =	sld [smem:$0x3FD9]  }
0x89: {  	s3 =	sld [smem:$0x3FFE];
	_ =	sdelay $0x1  }
0x8a: {  	s1 =	srdreg.scid  }
0x8b: {  	s0 =	sand.u32 $0x1, s1  }
0x8c: {  	s16 =	sshll.u32 s0, $0xA;
	s2 =	sadd.s32 s3, s2  }
0x8d: {  	s2 =	sadd.s32 s2, s16  }
0x8e: {  	[smem:$0x3FAC] =	sst s2  }
0x8f: {  	_ = 	snop  }
0x90: {  	(tm) =	ssettm $0x1  }
0x91: {  	s17 =	sld [smem:$0x3FFB];
	_ =	sdelay $0x3  }
0x92: {  	_ =	strace s17  }
0x93: {  	s2 =	sld [smem:$0x3FFC];
	_ =	sdelay $0x3  }
0x94: {  	_ =	strace s2  }
0x95: {  	s2 =	sld [smem:$0x3FFD];
	_ =	sdelay $0x3  }
0x96: {  	_ =	strace s2  }
0x97: {  	_ =	strace $0x8FFFFFFF  }
0x98: {  	s18 =	sld [smem:$0x3FDB];
	_ =	sdelay $0x1  }
0x99: {  	s19 =	simm.s32 $_scs_section_size  }
0x9a: {  	s4 =	simm.s32 $_size__tile_overlayer_lowered;
	s5 =	simm.s32 $_tile_overlayer_lowered  }
0x9b: {  	s22 =	simm.s32 $0x1BFF;
	s21 =	sshll.u32 s5, $0x1;
	s2 =	sadd.s32 s19, s18  }
0x9c: {  	s6 =	simm.s32 $0x0;
	s20 =	sshll.u32 s4, $0x1;
	s4 =	sadd.s32 s21, s2  }
0x9d: {  	[timem:s6], [sflag:s22] =	dma.local [hbm:s4], s20  }
0x9e: {  	_ =	swait.ge [sflag:s22], s20  }
0x9f: {  	s3 =	ssub.s32 $0x0, s20;
	[sflag:s22] =	ssyncset.done $0x0  }
0xa0: {  	[sflag:s22] =	ssyncadd.s32 s3;
	_ =	sdelay $0x1  }
0xa1: {  	s23 =	simm.s32 $0x1B8B  }
0xa2: {  	_ =	swait.ge [sflag:s23], $0x1  }
0xa3: {  	[sflag:s23] =	ssyncset.done $0x0  }
0xa4: {  	s25 =	simm.s32 $0x1B8E;
	s24 =	sld [smem:$0x3FFE];
	[sflag:s23] =	ssyncadd.s32 $0xFFFFFFFF  }
0xa5: {  	s26 =	simm.s32 $execute0_lowered;
	[smem:$0x3FD2] =	sst s25  }
0xa6: {  	s4 =	sshll.u32 s26, $0x1;
	_ =	strace $0x8000004C;
	[dreg:$0x1] =	wrdreg $0xFFFFFFFF  }
0xa7: {  	s28 =	simm.s32 $_size_execute0_lowered;
	s2 =	sadd.s32 s2, s4;
	[dreg:$0x0] =	wrdreg $0x0  }
0xa8: {  	s4 =	sshll.u32 s28, $0x1;
	[dreg:$0x2] =	wrdreg s2  }
0xa9: {  	[dreg:$0x3] =	wrdreg s4  }
0xaa: {  	[dreg:$0x4] =	wrdreg $0xC0  }
0xab: {  	_ =	task [dreg:s6], $0x5FFFF  }
0xac: {  	[dreg:$0x1] =	wrdreg $0xFFFFFFFF  }
0xad: {  	[dreg:$0x0] =	wrdreg $0x60  }
0xae: {  	[dreg:$0x2] =	wrdreg s24  }
0xaf: {  	[dreg:$0x3] =	wrdreg $0x82000  }
0xb0: {  	[dreg:$0x4] =	wrdreg $0x9  }
0xb1: {  	_ =	task.clear_ibuf [dreg:s6], $0x5FFFF;
	_ =	strace $0x9000004C  }
0xb2: {  	s29 =	simm.s32 $0x9;
	_ =	strace $0x8000004E  }
0xb3: {  	_ =	swait.ge [sflag:s29], $0x1  }
0xb4: {  	[sflag:s29] =	ssyncadd.s32 $0xFFFFFFFF  }
0xb5: {  	_ =	strace $0x9000004E  }
0xb6: {  	_ =	sfence  }
0xb7: {  	s30 =	sld [smem:$0x0];
	_ =	sdelay $0x2  }
0xb8: {  	s31 =	sshll.u32 s1, $0xD;
	s1 =	sshrl.u32 s1, $0x2  }
0xb9: {  	s3 =	sand.u32 $0x4000, s31;
	s1 =	sadd.s32 s1, s30  }
0xba: {  	s0 =	sor.u32 s3, s0;
	s1 =	sshll.u32 s1, $0x11  }
0xbb: {  	s0 =	sor.u32 s1, s0  }
0xbc: {  	s0 =	sadd.s32 $0x8F2B, s0  }
0xbd: {  	[sflag:s0] =	ssyncadd.remote.s32 $0x1  }
0xbe: {  	_ =	sfence.sel $0xFFFF  }
0xbf: {  	[dreg:$0x0] =	wrdreg $0xFFFFFFFF;
	(pc) =	sbr.abs _section_cstart, $3  }
0xc0: {  	[dreg:$0x1] =	wrdreg $0xFFFFFFFF  }
0xc1: {  	_ =	task.clear_ibuf [dreg:s6], $0x2FFFF;
	_ =	strace $0x9FFFFFFF  }
0xc2: {  	(tm) =	ssettm $0x7FFFFFFF  }
0xc3: {  	_ =	shalt  }
tec
execute0_lowered:
.L_overlay_start_1:
0x0: {  	(tag) =	ssettag $0x1  }
0x1: {  	s6 =	rddreg [dreg:$0x0]  }
0x2: {  	s1 =	rddreg [dreg:$0x1]  }
0x3: {  	s0 =	rddreg [dreg:$0x2];
	s2 =	simm.s32 $0x0  }
0x4: {  	s3 =	srdreg.scid;
	s17 =	simm.s32 $0x200;
	s18 =	simm.s32 $0x100  }
0x5: {  	s19 =	simm.s32 $0x3;
	s20 =	simm.s32 $0x2;
	s21 =	simm.s32 $0x4200  }
0x6: {  	s22 =	simm.s32 $0x80;
	s8 =	sand.u32 $0x1, s3;
	s3 =	stileid.u32  }
0x7: {  	s23 =	simm.s32 $0x4;
	s24 =	simm.s32 $0x1;
	s9 =	smul.u32 $0x4F000, s3  }
0x8: {  	[smem:$0x7FF] =	sst s2;
	s10 =	sadd.s32 $0x11E00, s6;
	s12 =	smul.u32 $0x138800, s8  }
0x9: {  	s5 =	sadd.s32 $0x4E00, s6;
	s16 =	sadd.s32 $0x128400, s1;
	s14 =	smul.u32 $0x13C00, s3  }
0xa: {  	s11 =	sadd.s32 $0x4D000, s6;
	_ =	strace $0x8000004D;
	s28 =	smul.u32 $0xA000, s8  }
0xb: {  	s4 =	sshll.u32 s8, $0x4;
	s25 =	ssub.s32 $0x2, s8;
	s30 =	smul.u32 $0xA00, s3  }
0xc: {  	p0 =	seq.s32 s3, $0xF;
	s7 =	sor.u32 s3, s4;
	s4 =	sadd.s32 $0x25E00, s6  }
0xd: {  	s13 =	sshrl.u32 s25, $0x1;
	s7 =	smul.u32 $0xA00, s7;
	s9 =	sshrl.u32 s9, $0x2  }
0xe: {  	s13 =	ssub.s32 s25, s13;
	s26 =	sadd.s32 s14, s12;
	s12 =	sshrl.u32 s12, $0x3  }
0xf: {  	s31 =	sadd.s32 s28, s10;
	s25 =	simm.s32 $0x180;
	s15 =	sadd.s32 s9, s1  }
0x10: {  	s9 =	sshrl.u32 s26, $0x3;
	s29 =	sadd.s32 s11, s12;
	s12 =	sshrl.u32 @p0 s16, $0x3  }
0x11: {  	s16 =	simm.s32 $0x7D;
	s26 =	simm.s32 $0x0;
	s6 =	sadd.s32 s10, s7  }
0x12: {  	s8 =	sadd.s32 s11, s9;
	s9 =	sadd.s32 $0x25080, s29;
	s10 =	smax.u32 s13, $0x1  }
0x13: {  	s11 =	sadd.s32 s30, s31;
	s13 =	sshll.u32 @!p0 s3, $0x6;
	s14 =	sshrl.u32 @!p0 s15, $0x3  }
0x14: {  	s15 =	simm.s32 $0x5;
	s7 =	sadd.s32 $0x20, s6;
	s13 =	sor.u32 @!p0 $0x1C05, s13  }
.LBB2_1:
0x15: {  	s28 =	simm.s32 @p0 $0x1FC5  }
0x16: {  	[spmem:s12], [sflag:s28] =	dma.local @p0 [hbm:s5], $0x2080  }
0x17: {  	s28 =	simm.s32 @p0 $0x5  }
0x18: {  	_ =	swait.ge @p0 [sflag:s28], $0x2080  }
0x19: {  	[sflag:s28] =	ssyncset.done @p0 $0x0  }
0x1a: {  	[sflag:s28] =	ssyncadd.s32 @p0 $0xFFFFDF80;
	s28 =	simm.s32 @!p0 $0x5  }
0x1b: {  	[spmem:s14], [sflag:s13] =	dma.local @!p0 [hbm:s5], $0x2780  }
0x1c: {  	_ =	swait.ge @!p0 [sflag:s28], $0x2780  }
0x1d: {  	[sflag:s28] =	ssyncset.done @!p0 $0x0  }
0x1e: {  	[sflag:s28] =	ssyncadd.s32 @!p0 $0xFFFFD880  }
0x1f: {  	[bflag:$0x0] =	sbarrier.arrive $0xFFFF  }
0x20: {  	[tilespmem:s2], [sflag:$0x5] =	stream.linear.gather [hbm4b:s6+s2], $0x100, $0x38;
	[tilespmem:$0x1BA80] =	vst v63  }
0x21: {  	_ =	swait.ge [sflag:s15], $0x100  }
0x22: {  	[sflag:s15] =	ssyncset.done $0x0  }
0x23: {  	[sflag:s15] =	ssyncadd.s32 $0xFFFFFF00  }
0x24: {  	[tilespmem:s17], [sflag:$0x3] =	stream.indirect.gather [hbm4b:s4+s16], $0x80, s2, s16, $0xb8;
	[tilespmem:$0x1BA80] =	vst v63  }
0x25: {  	_ = 	snop  }
0x26: {  	[tilespmem:s18], [sflag:$0x2] =	stream.linear.gather [hbm4b:s7+s2], $0x100, $0x38;
	[tilespmem:$0x1BA80] =	vst v63  }
0x27: {  	_ =	swait.ge [sflag:s19], $0x3E80  }
0x28: {  	[sflag:s19] =	ssyncset.done $0x0  }
0x29: {  	[sflag:s19] =	ssyncadd.s32 $0xFFFFC180  }
0x2a: {  	_ =	swait.ge [sflag:s20], $0x100  }
0x2b: {  	[sflag:s20] =	ssyncset.done $0x0  }
0x2c: {  	[sflag:s20] =	ssyncadd.s32 $0xFFFFFF00  }
0x2d: {  	[tilespmem:s21], [sflag:$0x4] =	stream.indirect.gather [hbm4b:s4+s16], $0x80, s18, s16, $0xb8;
	[tilespmem:$0x1BA80] =	vst v63  }
0x2e: {  	_ = 	snop  }
0x2f: {  	[spmem:s1] =	stream.indirect.scatter.add.f32 [tilespmem:s17], [sflag:$0x5], $0x80, s22, s16, $0xb8;
	[tilespmem:$0x1BA80] =	vst v63  }
0x30: {  	_ =	swait.ge [sflag:s15], $0x3E80  }
0x31: {  	s29 =	sadd.s32 $0xFFFFF640, s11;
	[sflag:s15] =	ssyncset.done $0x0  }
0x32: {  	s28 =	sadd.s32 $0xA00, s29;
	[sflag:s15] =	ssyncadd.s32 $0xFFFFC180  }
0x33: {  	[tilespmem:s2], [sflag:$0x1] =	stream.linear.gather [hbm4b:s28+s2], $0x100, $0x38;
	[tilespmem:$0x1BA80] =	vst v63  }
0x34: {  	_ =	swait.ge [sflag:s23], $0x3E80  }
0x35: {  	[sflag:s23] =	ssyncset.done $0x0  }
0x36: {  	[sflag:s23] =	ssyncadd.s32 $0xFFFFC180  }
0x37: {  	_ =	swait.ge [sflag:s24], $0x100  }
0x38: {  	[sflag:s24] =	ssyncset.done $0x0  }
0x39: {  	[sflag:s24] =	ssyncadd.s32 $0xFFFFFF00  }
0x3a: {  	[tilespmem:s17], [sflag:$0x3] =	stream.indirect.gather [hbm4b:s4+s16], $0x80, s2, s16, $0xb8;
	[tilespmem:$0x1BA80] =	vst v63  }
0x3b: {  	_ = 	snop  }
0x3c: {  	[spmem:s1] =	stream.indirect.scatter.add.f32 [tilespmem:s21], [sflag:$0x5], $0x80, s25, s16, $0xb8;
	[tilespmem:$0x1BA80] =	vst v63  }
0x3d: {  	_ =	swait.ge [sflag:s15], $0x3E80  }
0x3e: {  	[sflag:s15] =	ssyncset.done $0x0  }
0x3f: {  	s29 =	sadd.s32 $0xA20, s29;
	s28 =	simm.s32 $0xFFFFF680;
	[sflag:s15] =	ssyncadd.s32 $0xFFFFC180  }
.LBB2_2:
0x40: {  	[tilespmem:s18], [sflag:$0x2] =	stream.linear.gather [hbm4b:s29+s2], $0x100, $0x38;
	[tilespmem:$0x1BA80] =	vst v63  }
0x41: {  	s29 =	smov.u32 s28  }
0x42: {  	p1 =	sne.s32 s28, $0xFFFFFFC0;
	s28 =	sadd.s32 $0x40, s28;
	_ =	swait.ge [sflag:s19], $0x3E80  }
0x43: {  	[sflag:s19] =	ssyncset.done $0x0  }
0x44: {  	[sflag:s19] =	ssyncadd.s32 $0xFFFFC180  }
0x45: {  	_ =	swait.ge [sflag:s20], $0x100  }
0x46: {  	[sflag:s20] =	ssyncset.done $0x0  }
0x47: {  	[sflag:s20] =	ssyncadd.s32 $0xFFFFFF00  }
0x48: {  	[tilespmem:s21], [sflag:$0x4] =	stream.indirect.gather [hbm4b:s4+s16], $0x80, s18, s16, $0xb8;
	[tilespmem:$0x1BA80] =	vst v63  }
0x49: {  	_ = 	snop  }
0x4a: {  	[spmem:s1] =	stream.indirect.scatter.add.f32 [tilespmem:s17], [sflag:$0x5], $0x80, s22, s16, $0xb8;
	[tilespmem:$0x1BA80] =	vst v63  }
0x4b: {  	_ =	swait.ge [sflag:s15], $0x3E80  }
0x4c: {  	s29 =	sadd.s32 s29, s11;
	[sflag:s15] =	ssyncset.done $0x0  }
0x4d: {  	s30 =	sadd.s32 $0xA00, s29;
	[sflag:s15] =	ssyncadd.s32 $0xFFFFC180  }
0x4e: {  	[tilespmem:s2], [sflag:$0x1] =	stream.linear.gather [hbm4b:s30+s2], $0x100, $0x38;
	[tilespmem:$0x1BA80] =	vst v63  }
0x4f: {  	_ =	swait.ge [sflag:s23], $0x3E80  }
0x50: {  	[sflag:s23] =	ssyncset.done $0x0  }
0x51: {  	[sflag:s23] =	ssyncadd.s32 $0xFFFFC180  }
0x52: {  	_ =	swait.ge [sflag:s24], $0x100  }
0x53: {  	[sflag:s24] =	ssyncset.done $0x0  }
0x54: {  	[sflag:s24] =	ssyncadd.s32 $0xFFFFFF00  }
0x55: {  	[tilespmem:s17], [sflag:$0x3] =	stream.indirect.gather [hbm4b:s4+s16], $0x80, s2, s16, $0xb8;
	[tilespmem:$0x1BA80] =	vst v63  }
.Ltmp0:
0x56: {  	(pc) =	sbr.rel @p1 .LBB2_2-.Ltmp0, $4  }
0x57: {  	[spmem:s1] =	stream.indirect.scatter.add.f32 [tilespmem:s21], [sflag:$0x5], $0x80, s25, s16, $0xb8;
	[tilespmem:$0x1BA80] =	vst v63  }
0x58: {  	_ =	swait.ge [sflag:s15], $0x3E80  }
0x59: {  	[sflag:s15] =	ssyncset.done $0x0  }
0x5a: {  	s29 =	sadd.s32 $0xA20, s29;
	[sflag:s15] =	ssyncadd.s32 $0xFFFFC180  }
0x5b: {  	[tilespmem:s18], [sflag:$0x2] =	stream.linear.gather [hbm4b:s29+s2], $0x100, $0x38;
	[tilespmem:$0x1BA80] =	vst v63  }
0x5c: {  	_ =	swait.ge [sflag:s19], $0x3E80  }
0x5d: {  	[sflag:s19] =	ssyncset.done $0x0  }
0x5e: {  	[sflag:s19] =	ssyncadd.s32 $0xFFFFC180  }
0x5f: {  	_ =	swait.ge [sflag:s20], $0x100  }
0x60: {  	[sflag:s20] =	ssyncset.done $0x0  }
0x61: {  	[sflag:s20] =	ssyncadd.s32 $0xFFFFFF00  }
0x62: {  	[tilespmem:s21], [sflag:$0x4] =	stream.indirect.gather [hbm4b:s4+s16], $0x80, s18, s16, $0xb8;
	[tilespmem:$0x1BA80] =	vst v63  }
0x63: {  	_ = 	snop  }
0x64: {  	[spmem:s1] =	stream.indirect.scatter.add.f32 [tilespmem:s17], [sflag:$0x5], $0x80, s22, s16, $0xb8;
	[tilespmem:$0x1BA80] =	vst v63  }
0x65: {  	_ =	swait.ge [sflag:s15], $0x3E80  }
0x66: {  	[sflag:s15] =	ssyncset.done $0x0  }
0x67: {  	[sflag:s15] =	ssyncadd.s32 $0xFFFFC180  }
0x68: {  	_ =	swait.ge [sflag:s23], $0x3E80  }
0x69: {  	[sflag:s23] =	ssyncset.done $0x0  }
0x6a: {  	[sflag:s23] =	ssyncadd.s32 $0xFFFFC180  }
0x6b: {  	[spmem:s1] =	stream.indirect.scatter.add.f32 [tilespmem:s21], [sflag:$0x5], $0x80, s25, s16, $0xb8;
	[tilespmem:$0x1BA80] =	vst v63  }
0x6c: {  	_ =	swait.ge [sflag:s15], $0x3E80  }
0x6d: {  	[sflag:s15] =	ssyncset.done $0x0  }
0x6e: {  	[sflag:s15] =	ssyncadd.s32 $0xFFFFC180  }
0x6f: {  	s28 =	simm.s32 @p0 $0x1FC5;
	[bflag:$0x0] =	sbarrier.arrive $0xFFFF  }
0x70: {  	[hbm:s9], [sflag:s28] =	dma.local @p0 [spmem:s12], $0x2080  }
0x71: {  	s28 =	simm.s32 @p0 $0x5  }
0x72: {  	s26 =	sadd.s32 $0x1, s26;
	_ =	swait.ge @p0 [sflag:s28], $0x2080  }
0x73: {  	p1 =	sne.s32 s26, s10;
	[sflag:s28] =	ssyncset.done @p0 $0x0  }
.Ltmp1:
0x74: {  	[sflag:s28] =	ssyncadd.s32 @p0 $0xFFFFDF80;
	s28 =	simm.s32 @!p0 $0x5;
	(pc) =	sbr.rel @p1 .LBB2_1-.Ltmp1, $4  }
0x75: {  	[hbm:s8], [sflag:s13] =	dma.local @!p0 [spmem:s14], $0x2780  }
0x76: {  	_ =	swait.ge @!p0 [sflag:s28], $0x2780  }
0x77: {  	[sflag:s28] =	ssyncset.done @!p0 $0x0  }
0x78: {  	[sflag:s28] =	ssyncadd.s32 @!p0 $0xFFFFD880  }
0x79: {  	_ =	sfence.sel $0x180000  }
0x7a: {  	[bflag:$0x0] =	sbarrier.arrive $0xFFFF  }
0x7b: {  	p0 =	sne.s32 s3, $0x0;
	_ =	strace $0x9000004D  }
0x7c: {  	s0 =	sadd.s32 @!p0 $0x100000, s0;
	[bflag:$0x2] =	sbarrier.arrive $0xFFFF  }
0x7d: {  	[sflag:s0] =	ssyncadd.tile.s32 @!p0 $0x1;
	_ =	shalt  }
.Lfunc_end2:
_tile_overlayer_lowered:
.L_overlay_start_2:
0x7e: {  	(tag) =	ssettag $0x2  }
0x7f: {  	s0 =	rddreg [dreg:$0x0];
	s2 =	stileid.u32  }
0x80: {  	s1 =	rddreg [dreg:$0x1];
	p0 =	sne.s32 s2, $0x0  }
0x81: {  	s3 =	rddreg [dreg:$0x2];
	[bflag:$0x3] =	sbarrier.arrive $0xFFFF;
	s2 =	simm.s32 @!p0 $0x1C05  }
0x82: {  	[timem:s3], [sflag:s2] =	dma.local @!p0 [hbm:s0], s1  }
0x83: {  	s0 =	simm.s32 @!p0 $0x5  }
0x84: {  	_ =	swait.ge @!p0 [sflag:s0], s1  }
0x85: {  	s1 =	ssub.s32 @!p0 $0x0, s1;
	[sflag:s0] =	ssyncset.done @!p0 $0x0  }
0x86: {  	[sflag:s0] =	ssyncadd.s32 @!p0 s1  }
0x87: {  	[bflag:$0x3] =	sbarrier.arrive $0xFFFF  }
0x88: {  	_ =	shalt  }

// kernel: kernel.9.cloned.1.call-start
scs
__scs_entry_jumppad:
0x0: {  	(pc) =	sbr.rel $0x88, $3  }
0x1: {  	(tag) =	ssettag $0x0;
	lr =	simm.s32 $0x1  }
0x2: {  	[smem:$0x3F85] =	sst lr;
	_ =	strace $0xD0000000  }
0x3: {  	_ = 	snop  }
0x4: {  	_ = 	snop  }
0x5: {  	_ = 	snop  }
0x6: {  	_ = 	snop  }
0x7: {  	_ = 	snop  }
__scs_overlays_trampoline_lowered:
0x8: {  	[smem:$0x3F94] =	sst s0  }
0x9: {  	[smem:$0x3F95] =	sst s1  }
0xa: {  	[smem:$0x3F96] =	sst s2  }
0xb: {  	[smem:$0x3F97] =	sst s3  }
0xc: {  	[smem:$0x3F98] =	sst s4  }
0xd: {  	[smem:$0x3F99] =	sst s5  }
0xe: {  	[smem:$0x3F9A] =	sst s6  }
0xf: {  	[smem:$0x3F9B] =	sst s7  }
0x10: {  	[smem:$0x3F9C] =	sst s8  }
0x11: {  	[smem:$0x3F9D] =	sst s9;
	s0 =	simm.s32 @!p0 $0x0  }
0x12: {  	s1 =	sld [smem:$0x3F83];
	s0 =	simm.s32 @p0 $0x1  }
0x13: {  	[smem:$0x3F9E] =	sst s0;
	s0 =	simm.s32 @!p1 $0x0  }
0x14: {  	s2 =	sld [smem:$0x3F82];
	s0 =	simm.s32 @p1 $0x1  }
0x15: {  	[smem:$0x3F9F] =	sst s0;
	s0 =	simm.s32 @!p2 $0x0  }
0x16: {  	s3 =	sld [smem:$0x3FDB];
	s0 =	simm.s32 @p2 $0x1  }
0x17: {  	s4 =	simm.s32 $0x1BF5;
	[smem:$0x3FA1] =	sst s0  }
0x18: {  	s0 =	sld [smem:$0x3F84];
	_ =	swait.ge [sflag:s4], $0x0  }
0x19: {  	s7 =	sld [smem:$0x3F85]  }
0x1a: {  	s8 =	sadd.s32 $0xFFFFE003, lr  }
0x1b: {  	s9 =	sadd.s32 $0xFFFFFEF7, lr;
	s5 =	simm.s32 $0xFFFFFFFF;
	p2 =	slt.u32 s8, $0xFFFFF086  }
0x1c: {  	p1 =	slt.u32 s9, $0xF7A;
	s5 =	simm.s32 @!p2 $0x0  }
0x1d: {  	s5 =	simm.s32 @p1 $0x1;
	p0 =	seq.s32 s7, s2  }
0x1e: {  	s7 =	smul.u32 @!p0 $0xF7A, s2;
	p2 =	seq.s32 @!p0 s5, $0x0  }
0x1f: {  	s9 =	smul.u32 $0xF7A, s1;
	s8 =	simm.s32 @!p0 $0x1BF5;
	p2 =	por !p2, p0  }
0x20: {  	[sflag:s8] =	ssyncset.s32 @!p0 $0xFFFFF086;
	s6 =	sadd.s32 @!p0 s3, s7;
	s7 =	simm.s32 @!p0 $0x108  }
0x21: {  	s3 =	sadd.s32 s3, s9;
	s6 =	sadd.s32 @!p0 $0x88, s6;
	s7 =	simm.s32 @p2 $0x1082  }
0x22: {  	[simem:s7], [sflag:s8] =	dma.local @!p0 [hbm:s6], $0xF7A  }
0x23: {  	s9 =	sor.u32 $0xD0000000, s2;
	s6 =	simm.s32 $0x108;
	_ =	swait.ge @!p0 [sflag:s8], $0x0  }
0x24: {  	s3 =	sadd.s32 $0x88, s3;
	s6 =	simm.s32 @!p1 $0x1082;
	[sflag:s4] =	ssyncset.s32 $0xFFFFF086  }
0x25: {  	[simem:s6], [sflag:s4] =	dma.local [hbm:s3], $0xF7A  }
0x26: {  	[smem:$0x3F85] =	sst s1;
	(tag) =	ssettag s2;
	_ =	strace s9  }
0x27: {  	s1 =	sld [smem:$0x3F95]  }
0x28: {  	s2 =	sld [smem:$0x3F96]  }
0x29: {  	s4 =	sld [smem:$0x3F98]  }
0x2a: {  	p0 =	seq.s32 s5, $0x0;
	s5 =	sld [smem:$0x3F99]  }
0x2b: {  	s6 =	sld [smem:$0x3F9A]  }
0x2c: {  	s7 =	sld [smem:$0x3F9B]  }
0x2d: {  	s3 =	simm.s32 $0x108;
	s8 =	sld [smem:$0x3F9C]  }
0x2e: {  	s3 =	simm.s32 @!p0 $0x1082;
	s9 =	sld [smem:$0x3F9D]  }
0x2f: {  	lr =	sadd.s32 s0, s3;
	s0 =	sld [smem:$0x3F94]  }
0x30: {  	s3 =	sld [smem:$0x3F97]  }
0x31: {  	[smem:$0x3FA0] =	sst s10  }
0x32: {  	s10 =	sld [smem:$0x3F9E];
	_ =	sdelay $0x3  }
0x33: {  	p0 =	seq.s32 s10, $0x1;
	s10 =	sld [smem:$0x3FA0];
	_ =	sdelay $0x3  }
0x34: {  	[smem:$0x3FA0] =	sst s10  }
0x35: {  	s10 =	sld [smem:$0x3F9F];
	_ =	sdelay $0x3  }
0x36: {  	p1 =	seq.s32 s10, $0x1;
	s10 =	sld [smem:$0x3FA0];
	_ =	sdelay $0x3  }
0x37: {  	[smem:$0x3FA0] =	sst s10  }
0x38: {  	s10 =	sld [smem:$0x3FA1]  }
0x39: {  	_ = 	snop;
	(pc) =	sbr.ind lr, $3  }
0x3a: {  	_ = 	snop  }
0x3b: {  	_ = 	snop  }
0x3c: {  	p2 =	seq.s32 s10, $0x1;
	s10 =	sld [smem:$0x3FA0]  }
0x3d: {  	_ =	shalt  }
0x3e: {  	_ =	shalt  }
0x3f: {  	_ =	shalt  }
0x40: {  	_ =	shalt  }
0x41: {  	_ =	shalt  }
0x42: {  	_ =	shalt  }
0x43: {  	_ =	shalt  }
0x44: {  	_ =	shalt  }
0x45: {  	_ =	shalt  }
0x46: {  	_ =	shalt  }
0x47: {  	_ =	shalt  }
0x48: {  	_ =	shalt  }
0x49: {  	_ =	shalt  }
0x4a: {  	_ =	shalt  }
0x4b: {  	_ =	shalt  }
0x4c: {  	_ =	shalt  }
0x4d: {  	_ =	shalt  }
0x4e: {  	_ =	shalt  }
0x4f: {  	_ =	shalt  }
0x50: {  	_ =	shalt  }
0x51: {  	_ =	shalt  }
0x52: {  	_ =	shalt  }
0x53: {  	_ =	shalt  }
0x54: {  	_ =	shalt  }
0x55: {  	_ =	shalt  }
0x56: {  	_ =	shalt  }
0x57: {  	_ =	shalt  }
0x58: {  	_ =	shalt  }
0x59: {  	_ =	shalt  }
0x5a: {  	_ =	shalt  }
0x5b: {  	_ =	shalt  }
0x5c: {  	_ =	shalt  }
0x5d: {  	_ =	shalt  }
0x5e: {  	_ =	shalt  }
0x5f: {  	_ =	shalt  }
0x60: {  	_ =	shalt  }
0x61: {  	_ =	shalt  }
0x62: {  	_ =	shalt  }
0x63: {  	_ =	shalt  }
0x64: {  	_ =	shalt  }
0x65: {  	_ =	shalt  }
0x66: {  	_ =	shalt  }
0x67: {  	_ =	shalt  }
0x68: {  	_ =	shalt  }
0x69: {  	_ =	shalt  }
0x6a: {  	_ =	shalt  }
0x6b: {  	_ =	shalt  }
0x6c: {  	_ =	shalt  }
0x6d: {  	_ =	shalt  }
0x6e: {  	_ =	shalt  }
0x6f: {  	_ =	shalt  }
0x70: {  	_ =	shalt  }
0x71: {  	_ =	shalt  }
0x72: {  	_ =	shalt  }
0x73: {  	_ =	shalt  }
0x74: {  	_ =	shalt  }
0x75: {  	_ =	shalt  }
0x76: {  	_ =	shalt  }
0x77: {  	_ =	shalt  }
0x78: {  	_ =	shalt  }
0x79: {  	_ =	shalt  }
0x7a: {  	_ =	shalt  }
0x7b: {  	_ =	shalt  }
0x7c: {  	_ =	shalt  }
0x7d: {  	_ =	shalt  }
0x7e: {  	_ =	shalt  }
0x7f: {  	_ =	shalt  }
0x80: {  	_ =	shalt  }
0x81: {  	_ =	shalt  }
0x82: {  	_ =	shalt  }
0x83: {  	_ =	shalt  }
0x84: {  	_ =	shalt  }
0x85: {  	_ =	shalt  }
0x86: {  	_ =	shalt  }
0x87: {  	_ =	shalt  }
.Lfunc_end0:
.L_simem_size_0:
called_computation_lowered:
.L_overlay_start_0:
0x88: {  	s2 =	sld [smem:$0x3FD9]  }
0x89: {  	s3 =	sld [smem:$0x3FFE];
	_ =	sdelay $0x1  }
0x8a: {  	s1 =	srdreg.scid  }
0x8b: {  	s0 =	sand.u32 $0x1, s1  }
0x8c: {  	s17 =	sshll.u32 s0, $0xA;
	s2 =	sadd.s32 s3, s2  }
0x8d: {  	s2 =	sadd.s32 s2, s17  }
0x8e: {  	[smem:$0x3FAC] =	sst s2  }
0x8f: {  	_ = 	snop  }
0x90: {  	s2 =	sld [smem:$0x3FD0];
	(tm) =	ssettm $0x1  }
0x91: {  	s18 =	sld [smem:$0x3FFB];
	_ =	sdelay $0x3  }
0x92: {  	_ =	strace s18  }
0x93: {  	s3 =	sld [smem:$0x3FFC];
	_ =	sdelay $0x3  }
0x94: {  	_ =	strace s3  }
0x95: {  	s3 =	sld [smem:$0x3FFD];
	_ =	sdelay $0x3  }
0x96: {  	_ =	strace s3  }
0x97: {  	_ =	strace $0x8FFFFFFF  }
0x98: {  	s19 =	sld [smem:$0x3FDB];
	_ =	sdelay $0x1  }
0x99: {  	s4 =	simm.s32 $_scs_section_size  }
0x9a: {  	s5 =	simm.s32 $_size__tile_overlayer_lowered;
	s6 =	simm.s32 $_tile_overlayer_lowered  }
0x9b: {  	s22 =	simm.s32 $0x1BFF;
	s21 =	sshll.u32 s6, $0x1;
	s3 =	sadd.s32 s4, s19  }
0x9c: {  	s7 =	simm.s32 $0x0;
	s20 =	sshll.u32 s5, $0x1;
	s5 =	sadd.s32 s21, s3  }
0x9d: {  	[timem:s7], [sflag:s22] =	dma.local [hbm:s5], s20  }
0x9e: {  	_ =	swait.ge [sflag:s22], s20  }
0x9f: {  	s4 =	ssub.s32 $0x0, s20;
	[sflag:s22] =	ssyncset.done $0x0  }
0xa0: {  	[sflag:s22] =	ssyncadd.s32 s4;
	_ =	sdelay $0x1  }
0xa1: {  	s23 =	simm.s32 $0x1B8B  }
0xa2: {  	_ =	swait.ge [sflag:s23], $0x1  }
0xa3: {  	[sflag:s23] =	ssyncset.done $0x0  }
0xa4: {  	s25 =	simm.s32 $0x1B8E;
	s24 =	sld [smem:$0x3FFE];
	[sflag:s23] =	ssyncadd.s32 $0xFFFFFFFF  }
0xa5: {  	s26 =	simm.s32 $execute0_lowered;
	[smem:$0x3FD2] =	sst s25  }
0xa6: {  	s5 =	sshll.u32 s26, $0x1;
	_ =	strace $0x80000046;
	[dreg:$0x1] =	wrdreg $0xFFFFFFFF  }
0xa7: {  	s28 =	simm.s32 $_size_execute0_lowered;
	s3 =	sadd.s32 s3, s5;
	[dreg:$0x0] =	wrdreg $0x0  }
0xa8: {  	s5 =	sshll.u32 s28, $0x1;
	[dreg:$0x2] =	wrdreg s3  }
0xa9: {  	[dreg:$0x3] =	wrdreg s5  }
0xaa: {  	[dreg:$0x4] =	wrdreg $0xC0  }
0xab: {  	_ =	task [dreg:s7], $0x5FFFF  }
0xac: {  	[dreg:$0x1] =	wrdreg $0xFFFFFFFF  }
0xad: {  	[dreg:$0x0] =	wrdreg $0x60  }
0xae: {  	[dreg:$0x2] =	wrdreg s24  }
0xaf: {  	[dreg:$0x3] =	wrdreg s2  }
0xb0: {  	[dreg:$0x4] =	wrdreg $0x68000  }
0xb1: {  	[dreg:$0x5] =	wrdreg $0x9  }
0xb2: {  	_ =	task.clear_ibuf [dreg:s7], $0x6FFFF;
	_ =	strace $0x90000046  }
0xb3: {  	s29 =	simm.s32 $0x9;
	_ =	strace $0x80000048  }
0xb4: {  	_ =	swait.ge [sflag:s29], $0x1  }
0xb5: {  	[sflag:s29] =	ssyncadd.s32 $0xFFFFFFFF  }
0xb6: {  	_ =	strace $0x90000048  }
0xb7: {  	_ =	sfence  }
0xb8: {  	s30 =	sld [smem:$0x0];
	_ =	sdelay $0x2  }
0xb9: {  	s31 =	sshll.u32 s1, $0xD;
	s1 =	sshrl.u32 s1, $0x2  }
0xba: {  	s3 =	sand.u32 $0x4000, s31;
	s1 =	sadd.s32 s1, s30  }
0xbb: {  	s0 =	sor.u32 s3, s0;
	s1 =	sshll.u32 s1, $0x11  }
0xbc: {  	s0 =	sor.u32 s1, s0  }
0xbd: {  	s0 =	sadd.s32 $0x8F2B, s0  }
0xbe: {  	[sflag:s0] =	ssyncadd.remote.s32 $0x1  }
0xbf: {  	_ =	sfence.sel $0xFFFF  }
0xc0: {  	[dreg:$0x0] =	wrdreg $0xFFFFFFFF;
	(pc) =	sbr.abs _section_cstart, $3  }
0xc1: {  	[dreg:$0x1] =	wrdreg $0xFFFFFFFF  }
0xc2: {  	_ =	task.clear_ibuf [dreg:s7], $0x2FFFF;
	_ =	strace $0x9FFFFFFF  }
0xc3: {  	(tm) =	ssettm $0x7FFFFFFF  }
tec
execute0_lowered:
.L_overlay_start_1:
0x0: {  	(tag) =	ssettag $0x1  }
0x1: {  	s5 =	rddreg [dreg:$0x0]  }
0x2: {  	s0 =	srdreg.scid;
	s7 =	rddreg [dreg:$0x1]  }
0x3: {  	s2 =	rddreg [dreg:$0x2];
	s3 =	simm.s32 $0x0;
	s14 =	simm.s32 $0x2800  }
0x4: {  	s15 =	simm.s32 $0x7D;
	s6 =	sand.u32 $0x1, s0;
	s0 =	stileid.u32  }
0x5: {  	s16 =	simm.s32 $0x0;
	[smem:$0x7FF] =	sst s3;
	s9 =	smul.u32 $0x4F000, s0  }
0x6: {  	s1 =	sshll.u32 s6, $0x4;
	s10 =	ssub.s32 $0x2, s6;
	s6 =	smul.u32 $0x138800, s6  }
0x7: {  	s12 =	smul.u32 $0x13C00, s0;
	p0 =	seq.s32 s0, $0xF;
	s4 =	sor.u32 s0, s1  }
0x8: {  	s1 =	rddreg [dreg:$0x3];
	_ =	strace $0x80000047;
	s11 =	sshrl.u32 s10, $0x1  }
0x9: {  	s4 =	smul.u32 $0x500, s4;
	s9 =	sshrl.u32 s9, $0x2;
	s10 =	ssub.s32 s10, s11  }
0xa: {  	s11 =	sadd.s32 $0x128400, s2;
	s28 =	sadd.s32 s12, s6;
	s29 =	sshrl.u32 s6, $0x3  }
0xb: {  	s13 =	sadd.s32 s9, s2;
	s30 =	sshrl.u32 s28, $0x3;
	s31 =	sadd.s32 s7, s29  }
0xc: {  	s9 =	smax.u32 s10, $0x1;
	s10 =	sshrl.u32 @p0 s11, $0x3;
	s11 =	sshll.u32 @!p0 s0, $0x6  }
0xd: {  	s8 =	sadd.s32 s4, s5;
	s4 =	sadd.s32 $0xEE00, s5;
	s5 =	sadd.s32 $0xF600, s5  }
0xe: {  	s7 =	sadd.s32 s7, s30;
	s11 =	sor.u32 @!p0 $0x1C01, s11;
	s12 =	sshrl.u32 @!p0 s13, $0x3  }
0xf: {  	s13 =	simm.s32 $0x1;
	s6 =	sadd.s32 $0x4E00, s8;
	s8 =	sadd.s32 $0x25080, s31  }
.LBB2_1:
0x10: {  	s17 =	simm.s32 @p0 $0x1FC1  }
0x11: {  	[spmem:s10], [sflag:s17] =	dma.local @p0 [hbm:s5], $0x2080  }
0x12: {  	s17 =	simm.s32 @p0 $0x1  }
0x13: {  	_ =	swait.ge @p0 [sflag:s17], $0x2080  }
0x14: {  	[sflag:s17] =	ssyncset.done @p0 $0x0  }
0x15: {  	[sflag:s17] =	ssyncadd.s32 @p0 $0xFFFFDF80;
	s17 =	simm.s32 @!p0 $0x1  }
0x16: {  	[spmem:s12], [sflag:s11] =	dma.local @!p0 [hbm:s5], $0x2780  }
0x17: {  	_ =	swait.ge @!p0 [sflag:s17], $0x2780  }
0x18: {  	[sflag:s17] =	ssyncset.done @!p0 $0x0  }
0x19: {  	[sflag:s17] =	ssyncadd.s32 @!p0 $0xFFFFD880  }
0x1a: {  	[tilespmem:s3], [sflag:$0x1] =	stream.linear.gather [hbm4b:s6+s3], $0x2800, $0x38;
	[tilespmem:$0x7B88] =	vst v63  }
0x1b: {  	_ =	swait.ge [sflag:s13], $0x2800  }
0x1c: {  	[sflag:s13] =	ssyncset.done $0x0  }
0x1d: {  	[sflag:s13] =	ssyncadd.s32 $0xFFFFD800  }
0x1e: {  	[tilespmem:s14], [sflag:$0x1] =	stream.linear.gather [hbm4b:s4+s3], $0x3E80, $0x38;
	[tilespmem:$0x7B88] =	vst v63  }
0x1f: {  	_ =	swait.ge [sflag:s13], $0x3E80  }
0x20: {  	[sflag:s13] =	ssyncset.done $0x0  }
0x21: {  	[sflag:s13] =	ssyncadd.s32 $0xFFFFC180  }
0x22: {  	s31 =	simm.s32 $0x0;
	[bflag:$0x0] =	sbarrier.arrive $0xFFFF  }
0x23: {  	[spmem:s2] =	stream.indirect.scatter.add.f32 [tilespmem:s14], [sflag:$0x1], $0x8, s31, s15, $0xb8;
	[tilespmem:$0x7B88] =	vst v63  }
0x24: {  	_ =	swait.ge [sflag:s13], $0x3E8  }
0x25: {  	s17 =	simm.s32 $0x200;
	[sflag:s13] =	ssyncset.done $0x0  }
.LBB2_2:
0x26: {  	s18 =	sshra.s32 s17, $0x2;
	[sflag:s13] =	ssyncadd.s32 $0xFFFFFC18;
	p1 =	sne.s32 s17, $0x9E00  }
0x27: {  	[spmem:s2] =	stream.indirect.scatter.add.f32 [tilespmem:s14], [sflag:$0x1], $0x8, s18, s15, $0xb8;
	[tilespmem:$0x7B88] =	vst v63  }
.Ltmp0:
0x28: {  	_ = 	snop;
	(pc) =	sbr.rel @p1 .LBB2_2-.Ltmp0, $4  }
0x29: {  	_ = 	snop  }
0x2a: {  	s17 =	sadd.s32 $0x200, s17  }
0x2b: {  	_ =	swait.ge [sflag:s13], $0x3E8  }
0x2c: {  	[sflag:s13] =	ssyncset.done $0x0  }
0x2d: {  	[sflag:s13] =	ssyncadd.s32 $0xFFFFFC18  }
0x2e: {  	s17 =	simm.s32 @p0 $0x1FC1;
	[bflag:$0x0] =	sbarrier.arrive $0xFFFF  }
0x2f: {  	[hbm:s8], [sflag:s17] =	dma.local @p0 [spmem:s10], $0x2080  }
0x30: {  	s17 =	simm.s32 @p0 $0x1  }
0x31: {  	s16 =	sadd.s32 $0x1, s16;
	_ =	swait.ge @p0 [sflag:s17], $0x2080  }
0x32: {  	p1 =	sne.s32 s16, s9;
	[sflag:s17] =	ssyncset.done @p0 $0x0  }
.Ltmp1:
0x33: {  	[sflag:s17] =	ssyncadd.s32 @p0 $0xFFFFDF80;
	s17 =	simm.s32 @!p0 $0x1;
	(pc) =	sbr.rel @p1 .LBB2_1-.Ltmp1, $4  }
0x34: {  	[hbm:s7], [sflag:s11] =	dma.local @!p0 [spmem:s12], $0x2780  }
0x35: {  	_ =	swait.ge @!p0 [sflag:s17], $0x2780  }
0x36: {  	[sflag:s17] =	ssyncset.done @!p0 $0x0  }
0x37: {  	[sflag:s17] =	ssyncadd.s32 @!p0 $0xFFFFD880  }
0x38: {  	_ =	sfence.sel $0x180000  }
0x39: {  	[bflag:$0x0] =	sbarrier.arrive $0xFFFF  }
0x3a: {  	p0 =	sne.s32 s0, $0x0;
	_ =	strace $0x90000047  }
0x3b: {  	s0 =	sadd.s32 @!p0 $0x100000, s1;
	[bflag:$0x2] =	sbarrier.arrive $0xFFFF  }
0x3c: {  	[sflag:s0] =	ssyncadd.tile.s32 @!p0 $0x1;
	_ =	shalt  }
.Lfunc_end2:
_tile_overlayer_lowered:
.L_overlay_start_2:
0x3d: {  	(tag) =	ssettag $0x2  }
0x3e: {  	s0 =	rddreg [dreg:$0x0];
	s2 =	stileid.u32  }
0x3f: {  	s1 =	rddreg [dreg:$0x1];
	p0 =	sne.s32 s2, $0x0  }
0x40: {  	s3 =	rddreg [dreg:$0x2];
	[bflag:$0x3] =	sbarrier.arrive $0xFFFF;
	s2 =	simm.s32 @!p0 $0x1C01  }
0x41: {  	[timem:s3], [sflag:s2] =	dma.local @!p0 [hbm:s0], s1  }
0x42: {  	s0 =	simm.s32 @!p0 $0x1  }
0x43: {  	_ =	swait.ge @!p0 [sflag:s0], s1  }
0x44: {  	s1 =	ssub.s32 @!p0 $0x0, s1;
	[sflag:s0] =	ssyncset.done @!p0 $0x0  }
0x45: {  	[sflag:s0] =	ssyncadd.s32 @!p0 s1  }
0x46: {  	[bflag:$0x3] =	sbarrier.arrive $0xFFFF  }
0x47: {  	_ =	shalt  }

</sc_bundles>
